<compile_context>
chip_gen: v7x
topology: tpu7x:2x2x1
jax: 0.10.2.dev20260603
libtpu: 0.0.44.dev20260713+nightly
codegen_flags: <defaults>
</compile_context>

<pallas_src>
import functools

import jax
import jax.numpy as jnp
from jax import lax
from jax.experimental import pallas as pl
from jax.experimental.pallas import tpu as pltpu
from jax.experimental.pallas import tpu_sc as plsc

EMBED_DIM = 64
HALF = 32
NC = 2
NS = 16
NW = NC * NS
BLK = 128
CH = 64
TCOL = 256


def _make_repack(vocab: int):
    n_full = vocab // TCOL
    per_w = (n_full + NW - 1) // NW
    per_w += per_w % 2
    mesh = plsc.VectorSubcoreMesh(core_axis_name="c", subcore_axis_name="s")

    @functools.partial(
        pl.kernel,
        mesh=mesh,
        out_type=jax.ShapeDtypeStruct((vocab // 2, 128), jnp.float32),
        scratch_types=[
            pltpu.VMEM((2, EMBED_DIM, TCOL), jnp.float32),
            pltpu.VMEM((2, TCOL // 2, 128), jnp.float32),
            pltpu.SemaphoreType.DMA,
            pltpu.SemaphoreType.DMA,
            pltpu.SemaphoreType.DMA,
            pltpu.SemaphoreType.DMA,
        ],
        compiler_params=pltpu.CompilerParams(
            use_tc_tiling_on_sc=True, needs_layout_passes=False
        ),
    )
    def repack_kernel(tt_hbm, tail_hbm, out_hbm, src_v, dst_v, si0, si1, so0, so1):
        wid = lax.axis_index("s") * NC + lax.axis_index("c")
        lanes = lax.iota(jnp.int32, 16)
        dvecs = [lanes + 16 * k for k in range(4)]
        sin = (si0, si1)
        sout = (so0, so1)

        def chunk_of(i):
            return lax.rem(i * NW + wid, n_full)

        def in_copy(i, b):
            c = chunk_of(i)
            return pltpu.make_async_copy(
                tt_hbm.at[:, pl.ds(c * TCOL, TCOL)], src_v.at[b], sin[b]
            )

        def out_copy(i, b):
            c = chunk_of(i)
            return pltpu.make_async_copy(
                dst_v.at[b], out_hbm.at[pl.ds(c * (TCOL // 2), TCOL // 2)], sout[b]
            )

        def transpose(b):
            src = src_v.at[b]
            dst = dst_v.at[b]

            @functools.partial(plsc.parallel_loop, 0, TCOL // 2, unroll=4)
            def row(r):
                for g in range(8):
                    e = g // 4
                    x = plsc.load_gather(
                        src, [dvecs[g % 4], lanes * 0 + (2 * r + e)]
                    )
                    dst[r, pl.ds(16 * g, 16)] = x

        in_copy(0, 0).start()

        def body(i2, carry):
            for b in range(2):
                i = 2 * i2 + b

                @pl.when(i + 1 < per_w)
                def _():
                    in_copy(i + 1, 1 - b).start()

                in_copy(i, b).wait()

                @pl.when(i >= 2)
                def _():
                    out_copy(i - 2, b).wait()

                transpose(b)
                out_copy(i, b).start()
            return carry

        lax.fori_loop(0, per_w // 2, body, 0)
        out_copy(per_w - 2, 0).wait()
        out_copy(per_w - 1, 1).wait()

        n_tail = (vocab - n_full * TCOL) // 2
        if n_tail:
            @pl.when(wid == NW - 1)
            def _():
                pltpu.sync_copy(tail_hbm, dst_v.at[0].at[pl.ds(0, n_tail)])
                pltpu.sync_copy(
                    dst_v.at[0].at[pl.ds(0, n_tail)],
                    out_hbm.at[pl.ds(n_full * (TCOL // 2), n_tail)],
                )

    return repack_kernel


def _make_gather(n_batch: int, n_seq: int, vocab: int):
    mesh = plsc.VectorSubcoreMesh(core_axis_name="c", subcore_axis_name="s")

    @functools.partial(
        pl.kernel,
        mesh=mesh,
        out_type=jax.ShapeDtypeStruct((n_batch * n_seq * 2, HALF), jnp.float32),
        scratch_types=[
            pltpu.VMEM((n_seq, BLK), jnp.int32),
            pltpu.VMEM((2 * CH,), jnp.int32),
            pltpu.VMEM((2 * CH, HALF), jnp.float32),
            pltpu.SemaphoreType.DMA,
        ],
        compiler_params=pltpu.CompilerParams(
            use_tc_tiling_on_sc=False, needs_layout_passes=False
        ),
    )
    def gather_kernel(tokens_t_hbm, table_hbm, out_hbm, idx_v, idx32_v, rows_v, sem):
        wid = lax.axis_index("s") * NC + lax.axis_index("c")
        base = wid * BLK
        pltpu.sync_copy(tokens_t_hbm.at[:, pl.ds(base, BLK)], idx_v)
        lanes = lax.iota(jnp.int32, 16)

        def body(c, carry):
            j = c // (BLK // CH)
            h = c % (BLK // CH)
            for g in range(CH // 16):
                b = idx_v[j, pl.ds(h * CH + g * 16, 16)] * 2
                plsc.store_scatter(idx32_v, [lanes * 2 + g * 32], b)
                plsc.store_scatter(idx32_v, [lanes * 2 + 1 + g * 32], b + 1)
            pltpu.async_copy(table_hbm.at[idx32_v], rows_v, sem).wait()
            pltpu.sync_copy(
                rows_v,
                out_hbm.at[pl.ds(2 * (j * n_batch + base + h * CH), 2 * CH)],
            )
            return carry

        lax.fori_loop(0, n_seq * (BLK // CH), body, 0)

    return gather_kernel


def kernel(tokens, table):
    n_batch, n_seq = tokens.shape
    vocab = table.shape[0]
    assert n_batch % NW == 0 and n_batch // NW == BLK
    tokens_t = tokens.T.astype(jnp.int32)
    covered = vocab // TCOL * TCOL
    tail128 = table[covered:].reshape(-1, 128)
    table128 = _make_repack(vocab)(table.T, tail128)
    table32 = table128.reshape(2 * vocab, HALF)
    out = _make_gather(n_batch, n_seq, vocab)(tokens_t, table32)
    return out.reshape(n_seq, n_batch, EMBED_DIM).transpose(1, 0, 2)

# --- scband reference (transcript-rebuilt; emitter-appended) ---
"""Pipeline reference for scband-simple-embedding-60120952210068 (READ-ONLY COPY).

The authoritative reference and input builder live on the scoring server;
editing this copy changes nothing except your own understanding.
"""

import jax, jax.numpy as jnp
import numpy as np

VOCAB = 1000000
EMBED_DIM = 64
PADDING_IDX = 0


def setup_inputs(seed: int = 0) -> dict:
    key = jax.random.key(seed)
    k_tok, k_tab = jax.random.split(key)
    tokens = jax.random.randint(k_tok, (4096, 50), 0, VOCAB, dtype=jnp.int64 if jax.config.jax_enable_x64 else jnp.int32)
    table = jax.random.normal(k_tab, (VOCAB, EMBED_DIM), dtype=jnp.float32)
    # nn.Embedding with padding_idx zeroes that row at init
    table = table.at[PADDING_IDX].set(0.0)
    return {"tokens": tokens, "table": table}


def reference(tokens, table):
    # Faithful nn.Embedding forward with padding_idx: row is zero.
    table_eff = table.at[PADDING_IDX].set(0.0)
    out = jnp.take(table_eff, tokens, axis=0)
    return out

if __name__ == "__main__":
    import jax
    _d = setup_inputs()
    print(jax.jit(kernel)(*tuple(_d.values())))

</pallas_src>

<mosaic_0001>
#map = affine_map<(d0, d1) -> (0, 0)>
module attributes {stable_mosaic.version = 14 : i64} {
  func.func @repack_kernel(%arg0: i32, %arg1: i32, %arg2: memref<64x1000000xf32, #tpu.memory_space<hbm>>, %arg3: memref<32x128xf32, #tpu.memory_space<hbm>>, %arg4: memref<500000x128xf32, #tpu.memory_space<hbm>>, %arg5: memref<2x64x256xf32, #tpu.memory_space<vmem>>, %arg6: memref<2x128x128xf32, #tpu.memory_space<vmem>>, %arg7: memref<!tpu.dma_semaphore, #tpu.memory_space<semaphore_mem>>, %arg8: memref<!tpu.dma_semaphore, #tpu.memory_space<semaphore_mem>>, %arg9: memref<!tpu.dma_semaphore, #tpu.memory_space<semaphore_mem>>, %arg10: memref<!tpu.dma_semaphore, #tpu.memory_space<semaphore_mem>>) attributes {dimension_semantics = [#tpu.dimension_semantics<core_parallel>, #tpu.dimension_semantics<subcore_parallel>], iteration_bounds = array<i64: 2, 16>, scalar_prefetch = 0 : i64, scratch_operands = 6 : i64, tpu.core_type = #tpu.core_type<sc_vector_subcore>, window_params = [{transform_indices = #map}, {transform_indices = #map}, {transform_indices = #map}]} {
    %mul3A = arith.constant 2 : i32
    %mul3A_0 = arith.muli %arg1, %mul3A : i32
    %add3A = arith.addi %mul3A_0, %arg0 : i32
    %iota3A = tpu.iota {dimensions = array<i32: 0>} : vector<16xi32>
    %add3A_1 = arith.constant 0 : i32
    %add3A_2 = vector.broadcast %add3A_1 : i32 to vector<16xi32>
    %add3A_3 = arith.addi %iota3A, %add3A_2 : vector<16xi32>
    %add3A_4 = arith.constant 16 : i32
    %add3A_5 = vector.broadcast %add3A_4 : i32 to vector<16xi32>
    %add3A_6 = arith.addi %iota3A, %add3A_5 : vector<16xi32>
    %add3A_7 = arith.constant 32 : i32
    %add3A_8 = vector.broadcast %add3A_7 : i32 to vector<16xi32>
    %add3A_9 = arith.addi %iota3A, %add3A_8 : vector<16xi32>
    %add3A_10 = arith.constant 48 : i32
    %add3A_11 = vector.broadcast %add3A_10 : i32 to vector<16xi32>
    %add3A_12 = arith.addi %iota3A, %add3A_11 : vector<16xi32>
    %add3A_13 = arith.constant 0 : i32
    %add3A_14 = arith.addi %add3A_13, %add3A : i32
    %rem3A = arith.constant 3906 : i32
    %rem3A_15 = arith.remsi %add3A_14, %rem3A : i32
    %mul3A_16 = arith.constant 256 : i32
    %mul3A_17 = arith.muli %rem3A_15, %mul3A_16 : i32
    %dma_start3A = arith.constant 0 : i32
    %dma_start3A_18 = arith.constant 0 : i32
    %dma_start3A_19 = arith.constant 0 : i32
    %dma_start3A_20 = tpu.memref_slice %arg5[%dma_start3A, %dma_start3A_18, %dma_start3A_19] : memref<2x64x256xf32, #tpu.memory_space<vmem>> -> memref<1x64x256xf32, #tpu.memory_space<vmem>>
    %dma_start3A_21 = tpu.memref_squeeze %dma_start3A_20 : memref<1x64x256xf32, #tpu.memory_space<vmem>> -> memref<64x256xf32, #tpu.memory_space<vmem>>
    %dma_start3A_22 = arith.constant 0 : i32
    %dma_start3A_23 = tpu.memref_slice %arg2[%dma_start3A_22, %mul3A_17] : memref<64x1000000xf32, #tpu.memory_space<hbm>> -> memref<64x256xf32, #tpu.memory_space<hbm>>
    %dma_start3A_24 = arith.constant 0 : i32
    %dma_start3A_25 = arith.constant 0 : i32
    %dma_start3A_26 = tpu.memref_slice %arg5[%dma_start3A, %dma_start3A_24, %dma_start3A_25] : memref<2x64x256xf32, #tpu.memory_space<vmem>> -> memref<1x64x256xf32, #tpu.memory_space<vmem>>
    %dma_start3A_27 = tpu.memref_squeeze %dma_start3A_26 : memref<1x64x256xf32, #tpu.memory_space<vmem>> -> memref<64x256xf32, #tpu.memory_space<vmem>>
    %dma_start3A_28 = arith.constant 0 : i32
    %dma_start3A_29 = tpu.memref_slice %arg2[%dma_start3A_28, %mul3A_17] : memref<64x1000000xf32, #tpu.memory_space<hbm>> -> memref<64x256xf32, #tpu.memory_space<hbm>>
    tpu.enqueue_dma source(%dma_start3A_29 : memref<64x256xf32, #tpu.memory_space<hbm>>) target(%dma_start3A_27 : memref<64x256xf32, #tpu.memory_space<vmem>>) target_semaphore(%arg7 : memref<!tpu.dma_semaphore, #tpu.memory_space<semaphore_mem>>)
    %scan3A = arith.constant 0 : i32
    %scan3A_30 = arith.constant 0 : i32
    %scan3A_31 = arith.constant 62 : i32
    %scan3A_32 = arith.addi %scan3A_30, %scan3A_31 : i32
    %scan3A_33 = arith.constant 1 : i32
    scf.for %scan3A_74 = %scan3A_30 to %scan3A_32 step %scan3A_33  : i32 {
      %mul3A_75 = arith.constant 2 : i32
      %mul3A_76 = arith.muli %mul3A_75, %scan3A_74 : i32
      %add3A_77 = arith.constant 0 : i32
      %add3A_78 = arith.addi %mul3A_76, %add3A_77 : i32
      %add3A_79 = arith.constant 1 : i32
      %add3A_80 = arith.addi %add3A_78, %add3A_79 : i32
      %lt3A = arith.constant 124 : i32
      %lt3A_81 = arith.cmpi slt, %add3A_80, %lt3A : i32
      %convert_element_type3A_82 = arith.extui %lt3A_81 : i1 to i32
      %cond3A_83 = arith.constant 0 : i32
      %cond3A_84 = arith.cmpi ne, %convert_element_type3A_82, %cond3A_83 : i32
      scf.if %cond3A_84 {
        %add3A_185 = arith.constant 1 : i32
        %add3A_186 = arith.addi %add3A_78, %add3A_185 : i32
        %mul3A_187 = arith.constant 32 : i32
        %mul3A_188 = arith.muli %add3A_186, %mul3A_187 : i32
        %add3A_189 = arith.addi %mul3A_188, %add3A : i32
        %rem3A_190 = arith.constant 3906 : i32
        %rem3A_191 = arith.remsi %add3A_189, %rem3A_190 : i32
        %mul3A_192 = arith.constant 256 : i32
        %mul3A_193 = arith.muli %rem3A_191, %mul3A_192 : i32
        %dma_start3A_194 = arith.constant 1 : i32
        %dma_start3A_195 = arith.constant 0 : i32
        %dma_start3A_196 = arith.constant 0 : i32
        %dma_start3A_197 = tpu.memref_slice %arg5[%dma_start3A_194, %dma_start3A_195, %dma_start3A_196] : memref<2x64x256xf32, #tpu.memory_space<vmem>> -> memref<1x64x256xf32, #tpu.memory_space<vmem>>
        %dma_start3A_198 = tpu.memref_squeeze %dma_start3A_197 : memref<1x64x256xf32, #tpu.memory_space<vmem>> -> memref<64x256xf32, #tpu.memory_space<vmem>>
        %dma_start3A_199 = arith.constant 0 : i32
        %dma_start3A_200 = tpu.memref_slice %arg2[%dma_start3A_199, %mul3A_193] : memref<64x1000000xf32, #tpu.memory_space<hbm>> -> memref<64x256xf32, #tpu.memory_space<hbm>>
        %dma_start3A_201 = arith.constant 0 : i32
        %dma_start3A_202 = arith.constant 0 : i32
        %dma_start3A_203 = tpu.memref_slice %arg5[%dma_start3A_194, %dma_start3A_201, %dma_start3A_202] : memref<2x64x256xf32, #tpu.memory_space<vmem>> -> memref<1x64x256xf32, #tpu.memory_space<vmem>>
        %dma_start3A_204 = tpu.memref_squeeze %dma_start3A_203 : memref<1x64x256xf32, #tpu.memory_space<vmem>> -> memref<64x256xf32, #tpu.memory_space<vmem>>
        %dma_start3A_205 = arith.constant 0 : i32
        %dma_start3A_206 = tpu.memref_slice %arg2[%dma_start3A_205, %mul3A_193] : memref<64x1000000xf32, #tpu.memory_space<hbm>> -> memref<64x256xf32, #tpu.memory_space<hbm>>
        tpu.enqueue_dma source(%dma_start3A_206 : memref<64x256xf32, #tpu.memory_space<hbm>>) target(%dma_start3A_204 : memref<64x256xf32, #tpu.memory_space<vmem>>) target_semaphore(%arg8 : memref<!tpu.dma_semaphore, #tpu.memory_space<semaphore_mem>>)
      } else {
      }
      %mul3A_85 = arith.constant 32 : i32
      %mul3A_86 = arith.muli %add3A_78, %mul3A_85 : i32
      %add3A_87 = arith.addi %mul3A_86, %add3A : i32
      %rem3A_88 = arith.constant 3906 : i32
      %rem3A_89 = arith.remsi %add3A_87, %rem3A_88 : i32
      %mul3A_90 = arith.constant 256 : i32
      %mul3A_91 = arith.muli %rem3A_89, %mul3A_90 : i32
      %dma_wait3A_92 = arith.constant 0 : i32
      %dma_wait3A_93 = arith.constant 0 : i32
      %dma_wait3A_94 = arith.constant 0 : i32
      %dma_wait3A_95 = tpu.memref_slice %arg5[%dma_wait3A_92, %dma_wait3A_93, %dma_wait3A_94] : memref<2x64x256xf32, #tpu.memory_space<vmem>> -> memref<1x64x256xf32, #tpu.memory_space<vmem>>
      %dma_wait3A_96 = tpu.memref_squeeze %dma_wait3A_95 : memref<1x64x256xf32, #tpu.memory_space<vmem>> -> memref<64x256xf32, #tpu.memory_space<vmem>>
      %dma_wait3A_97 = arith.constant 0 : i32
      %dma_wait3A_98 = tpu.memref_slice %arg2[%dma_wait3A_97, %mul3A_91] : memref<64x1000000xf32, #tpu.memory_space<hbm>> -> memref<64x256xf32, #tpu.memory_space<hbm>>
      %dma_wait3A_99 = arith.constant 0 : i32
      %dma_wait3A_100 = arith.constant 0 : i32
      %dma_wait3A_101 = tpu.memref_slice %arg5[%dma_wait3A_92, %dma_wait3A_99, %dma_wait3A_100] : memref<2x64x256xf32, #tpu.memory_space<vmem>> -> memref<1x64x256xf32, #tpu.memory_space<vmem>>
      %dma_wait3A_102 = tpu.memref_squeeze %dma_wait3A_101 : memref<1x64x256xf32, #tpu.memory_space<vmem>> -> memref<64x256xf32, #tpu.memory_space<vmem>>
      %dma_wait3A_103 = arith.constant 0 : i32
      %dma_wait3A_104 = tpu.memref_slice %arg2[%dma_wait3A_103, %mul3A_91] : memref<64x1000000xf32, #tpu.memory_space<hbm>> -> memref<64x256xf32, #tpu.memory_space<hbm>>
      tpu.wait_dma2 semaphore(%arg7 : memref<!tpu.dma_semaphore, #tpu.memory_space<semaphore_mem>>) src(%dma_wait3A_104 : memref<64x256xf32, #tpu.memory_space<hbm>>) dst(%dma_wait3A_102 : memref<64x256xf32, #tpu.memory_space<vmem>>)
      %ge3A = arith.constant 2 : i32
      %ge3A_105 = arith.cmpi sge, %add3A_78, %ge3A : i32
      %convert_element_type3A_106 = arith.extui %ge3A_105 : i1 to i32
      %cond3A_107 = arith.constant 0 : i32
      %cond3A_108 = arith.cmpi ne, %convert_element_type3A_106, %cond3A_107 : i32
      scf.if %cond3A_108 {
        %sub3A = arith.constant 2 : i32
        %sub3A_185 = arith.subi %add3A_78, %sub3A : i32
        %mul3A_186 = arith.constant 32 : i32
        %mul3A_187 = arith.muli %sub3A_185, %mul3A_186 : i32
        %add3A_188 = arith.addi %mul3A_187, %add3A : i32
        %rem3A_189 = arith.constant 3906 : i32
        %rem3A_190 = arith.remsi %add3A_188, %rem3A_189 : i32
        %mul3A_191 = arith.constant 128 : i32
        %mul3A_192 = arith.muli %rem3A_190, %mul3A_191 : i32
        %dma_wait3A_193 = arith.constant 0 : i32
        %dma_wait3A_194 = arith.constant 0 : i32
        %dma_wait3A_195 = arith.constant 0 : i32
        %dma_wait3A_196 = tpu.memref_slice %arg6[%dma_wait3A_193, %dma_wait3A_194, %dma_wait3A_195] : memref<2x128x128xf32, #tpu.memory_space<vmem>> -> memref<1x128x128xf32, #tpu.memory_space<vmem>>
        %dma_wait3A_197 = tpu.memref_squeeze %dma_wait3A_196 : memref<1x128x128xf32, #tpu.memory_space<vmem>> -> memref<128x128xf32, #tpu.memory_space<vmem>>
        %dma_wait3A_198 = arith.constant 0 : i32
        %dma_wait3A_199 = tpu.memref_slice %arg4[%mul3A_192, %dma_wait3A_198] : memref<500000x128xf32, #tpu.memory_space<hbm>> -> memref<128x128xf32, #tpu.memory_space<hbm>>
        %dma_wait3A_200 = arith.constant 0 : i32
        %dma_wait3A_201 = tpu.memref_slice %arg4[%mul3A_192, %dma_wait3A_200] : memref<500000x128xf32, #tpu.memory_space<hbm>> -> memref<128x128xf32, #tpu.memory_space<hbm>>
        %dma_wait3A_202 = arith.constant 0 : i32
        %dma_wait3A_203 = arith.constant 0 : i32
        %dma_wait3A_204 = tpu.memref_slice %arg6[%dma_wait3A_193, %dma_wait3A_202, %dma_wait3A_203] : memref<2x128x128xf32, #tpu.memory_space<vmem>> -> memref<1x128x128xf32, #tpu.memory_space<vmem>>
        %dma_wait3A_205 = tpu.memref_squeeze %dma_wait3A_204 : memref<1x128x128xf32, #tpu.memory_space<vmem>> -> memref<128x128xf32, #tpu.memory_space<vmem>>
        tpu.wait_dma2 semaphore(%arg9 : memref<!tpu.dma_semaphore, #tpu.memory_space<semaphore_mem>>) src(%dma_wait3A_205 : memref<128x128xf32, #tpu.memory_space<vmem>>) dst(%dma_wait3A_201 : memref<128x128xf32, #tpu.memory_space<hbm>>)
      } else {
      }
      %mul3A_109 = arith.constant 32 : i32
      %mul3A_110 = arith.muli %add3A_78, %mul3A_109 : i32
      %add3A_111 = arith.addi %mul3A_110, %add3A : i32
      %rem3A_112 = arith.constant 3906 : i32
      %rem3A_113 = arith.remsi %add3A_111, %rem3A_112 : i32
      %mul3A_114 = arith.constant 128 : i32
      %mul3A_115 = arith.muli %rem3A_113, %mul3A_114 : i32
      %dma_start3A_116 = arith.constant 0 : i32
      %dma_start3A_117 = arith.constant 0 : i32
      %dma_start3A_118 = arith.constant 0 : i32
      %dma_start3A_119 = tpu.memref_slice %arg6[%dma_start3A_116, %dma_start3A_117, %dma_start3A_118] : memref<2x128x128xf32, #tpu.memory_space<vmem>> -> memref<1x128x128xf32, #tpu.memory_space<vmem>>
      %dma_start3A_120 = tpu.memref_squeeze %dma_start3A_119 : memref<1x128x128xf32, #tpu.memory_space<vmem>> -> memref<128x128xf32, #tpu.memory_space<vmem>>
      %dma_start3A_121 = arith.constant 0 : i32
      %dma_start3A_122 = tpu.memref_slice %arg4[%mul3A_115, %dma_start3A_121] : memref<500000x128xf32, #tpu.memory_space<hbm>> -> memref<128x128xf32, #tpu.memory_space<hbm>>
      %dma_start3A_123 = arith.constant 0 : i32
      %dma_start3A_124 = tpu.memref_slice %arg4[%mul3A_115, %dma_start3A_123] : memref<500000x128xf32, #tpu.memory_space<hbm>> -> memref<128x128xf32, #tpu.memory_space<hbm>>
      %dma_start3A_125 = arith.constant 0 : i32
      %dma_start3A_126 = arith.constant 0 : i32
      %dma_start3A_127 = tpu.memref_slice %arg6[%dma_start3A_116, %dma_start3A_125, %dma_start3A_126] : memref<2x128x128xf32, #tpu.memory_space<vmem>> -> memref<1x128x128xf32, #tpu.memory_space<vmem>>
      %dma_start3A_128 = tpu.memref_squeeze %dma_start3A_127 : memref<1x128x128xf32, #tpu.memory_space<vmem>> -> memref<128x128xf32, #tpu.memory_space<vmem>>
      tpu.enqueue_dma source(%dma_start3A_128 : memref<128x128xf32, #tpu.memory_space<vmem>>) target(%dma_start3A_124 : memref<128x128xf32, #tpu.memory_space<hbm>>) target_semaphore(%arg9 : memref<!tpu.dma_semaphore, #tpu.memory_space<semaphore_mem>>)
      %mul3A_129 = arith.constant 2 : i32
      %mul3A_130 = arith.muli %mul3A_129, %scan3A_74 : i32
      %add3A_131 = arith.constant 1 : i32
      %add3A_132 = arith.addi %mul3A_130, %add3A_131 : i32
      %add3A_133 = arith.constant 1 : i32
      %add3A_134 = arith.addi %add3A_132, %add3A_133 : i32
      %lt3A_135 = arith.constant 124 : i32
      %lt3A_136 = arith.cmpi slt, %add3A_134, %lt3A_135 : i32
      %convert_element_type3A_137 = arith.extui %lt3A_136 : i1 to i32
      %cond3A_138 = arith.constant 0 : i32
      %cond3A_139 = arith.cmpi ne, %convert_element_type3A_137, %cond3A_138 : i32
      scf.if %cond3A_139 {
        %add3A_185 = arith.constant 1 : i32
        %add3A_186 = arith.addi %add3A_132, %add3A_185 : i32
        %mul3A_187 = arith.constant 32 : i32
        %mul3A_188 = arith.muli %add3A_186, %mul3A_187 : i32
        %add3A_189 = arith.addi %mul3A_188, %add3A : i32
        %rem3A_190 = arith.constant 3906 : i32
        %rem3A_191 = arith.remsi %add3A_189, %rem3A_190 : i32
        %mul3A_192 = arith.constant 256 : i32
        %mul3A_193 = arith.muli %rem3A_191, %mul3A_192 : i32
        %dma_start3A_194 = arith.constant 0 : i32
        %dma_start3A_195 = arith.constant 0 : i32
        %dma_start3A_196 = arith.constant 0 : i32
        %dma_start3A_197 = tpu.memref_slice %arg5[%dma_start3A_194, %dma_start3A_195, %dma_start3A_196] : memref<2x64x256xf32, #tpu.memory_space<vmem>> -> memref<1x64x256xf32, #tpu.memory_space<vmem>>
        %dma_start3A_198 = tpu.memref_squeeze %dma_start3A_197 : memref<1x64x256xf32, #tpu.memory_space<vmem>> -> memref<64x256xf32, #tpu.memory_space<vmem>>
        %dma_start3A_199 = arith.constant 0 : i32
        %dma_start3A_200 = tpu.memref_slice %arg2[%dma_start3A_199, %mul3A_193] : memref<64x1000000xf32, #tpu.memory_space<hbm>> -> memref<64x256xf32, #tpu.memory_space<hbm>>
        %dma_start3A_201 = arith.constant 0 : i32
        %dma_start3A_202 = arith.constant 0 : i32
        %dma_start3A_203 = tpu.memref_slice %arg5[%dma_start3A_194, %dma_start3A_201, %dma_start3A_202] : memref<2x64x256xf32, #tpu.memory_space<vmem>> -> memref<1x64x256xf32, #tpu.memory_space<vmem>>
        %dma_start3A_204 = tpu.memref_squeeze %dma_start3A_203 : memref<1x64x256xf32, #tpu.memory_space<vmem>> -> memref<64x256xf32, #tpu.memory_space<vmem>>
        %dma_start3A_205 = arith.constant 0 : i32
        %dma_start3A_206 = tpu.memref_slice %arg2[%dma_start3A_205, %mul3A_193] : memref<64x1000000xf32, #tpu.memory_space<hbm>> -> memref<64x256xf32, #tpu.memory_space<hbm>>
        tpu.enqueue_dma source(%dma_start3A_206 : memref<64x256xf32, #tpu.memory_space<hbm>>) target(%dma_start3A_204 : memref<64x256xf32, #tpu.memory_space<vmem>>) target_semaphore(%arg7 : memref<!tpu.dma_semaphore, #tpu.memory_space<semaphore_mem>>)
      } else {
      }
      %mul3A_140 = arith.constant 32 : i32
      %mul3A_141 = arith.muli %add3A_132, %mul3A_140 : i32
      %add3A_142 = arith.addi %mul3A_141, %add3A : i32
      %rem3A_143 = arith.constant 3906 : i32
      %rem3A_144 = arith.remsi %add3A_142, %rem3A_143 : i32
      %mul3A_145 = arith.constant 256 : i32
      %mul3A_146 = arith.muli %rem3A_144, %mul3A_145 : i32
      %dma_wait3A_147 = arith.constant 1 : i32
      %dma_wait3A_148 = arith.constant 0 : i32
      %dma_wait3A_149 = arith.constant 0 : i32
      %dma_wait3A_150 = tpu.memref_slice %arg5[%dma_wait3A_147, %dma_wait3A_148, %dma_wait3A_149] : memref<2x64x256xf32, #tpu.memory_space<vmem>> -> memref<1x64x256xf32, #tpu.memory_space<vmem>>
      %dma_wait3A_151 = tpu.memref_squeeze %dma_wait3A_150 : memref<1x64x256xf32, #tpu.memory_space<vmem>> -> memref<64x256xf32, #tpu.memory_space<vmem>>
      %dma_wait3A_152 = arith.constant 0 : i32
      %dma_wait3A_153 = tpu.memref_slice %arg2[%dma_wait3A_152, %mul3A_146] : memref<64x1000000xf32, #tpu.memory_space<hbm>> -> memref<64x256xf32, #tpu.memory_space<hbm>>
      %dma_wait3A_154 = arith.constant 0 : i32
      %dma_wait3A_155 = arith.constant 0 : i32
      %dma_wait3A_156 = tpu.memref_slice %arg5[%dma_wait3A_147, %dma_wait3A_154, %dma_wait3A_155] : memref<2x64x256xf32, #tpu.memory_space<vmem>> -> memref<1x64x256xf32, #tpu.memory_space<vmem>>
      %dma_wait3A_157 = tpu.memref_squeeze %dma_wait3A_156 : memref<1x64x256xf32, #tpu.memory_space<vmem>> -> memref<64x256xf32, #tpu.memory_space<vmem>>
      %dma_wait3A_158 = arith.constant 0 : i32
      %dma_wait3A_159 = tpu.memref_slice %arg2[%dma_wait3A_158, %mul3A_146] : memref<64x1000000xf32, #tpu.memory_space<hbm>> -> memref<64x256xf32, #tpu.memory_space<hbm>>
      tpu.wait_dma2 semaphore(%arg8 : memref<!tpu.dma_semaphore, #tpu.memory_space<semaphore_mem>>) src(%dma_wait3A_159 : memref<64x256xf32, #tpu.memory_space<hbm>>) dst(%dma_wait3A_157 : memref<64x256xf32, #tpu.memory_space<vmem>>)
      %ge3A_160 = arith.constant 2 : i32
      %ge3A_161 = arith.cmpi sge, %add3A_132, %ge3A_160 : i32
      %convert_element_type3A_162 = arith.extui %ge3A_161 : i1 to i32
      %cond3A_163 = arith.constant 0 : i32
      %cond3A_164 = arith.cmpi ne, %convert_element_type3A_162, %cond3A_163 : i32
      scf.if %cond3A_164 {
        %sub3A = arith.constant 2 : i32
        %sub3A_185 = arith.subi %add3A_132, %sub3A : i32
        %mul3A_186 = arith.constant 32 : i32
        %mul3A_187 = arith.muli %sub3A_185, %mul3A_186 : i32
        %add3A_188 = arith.addi %mul3A_187, %add3A : i32
        %rem3A_189 = arith.constant 3906 : i32
        %rem3A_190 = arith.remsi %add3A_188, %rem3A_189 : i32
        %mul3A_191 = arith.constant 128 : i32
        %mul3A_192 = arith.muli %rem3A_190, %mul3A_191 : i32
        %dma_wait3A_193 = arith.constant 1 : i32
        %dma_wait3A_194 = arith.constant 0 : i32
        %dma_wait3A_195 = arith.constant 0 : i32
        %dma_wait3A_196 = tpu.memref_slice %arg6[%dma_wait3A_193, %dma_wait3A_194, %dma_wait3A_195] : memref<2x128x128xf32, #tpu.memory_space<vmem>> -> memref<1x128x128xf32, #tpu.memory_space<vmem>>
        %dma_wait3A_197 = tpu.memref_squeeze %dma_wait3A_196 : memref<1x128x128xf32, #tpu.memory_space<vmem>> -> memref<128x128xf32, #tpu.memory_space<vmem>>
        %dma_wait3A_198 = arith.constant 0 : i32
        %dma_wait3A_199 = tpu.memref_slice %arg4[%mul3A_192, %dma_wait3A_198] : memref<500000x128xf32, #tpu.memory_space<hbm>> -> memref<128x128xf32, #tpu.memory_space<hbm>>
        %dma_wait3A_200 = arith.constant 0 : i32
        %dma_wait3A_201 = tpu.memref_slice %arg4[%mul3A_192, %dma_wait3A_200] : memref<500000x128xf32, #tpu.memory_space<hbm>> -> memref<128x128xf32, #tpu.memory_space<hbm>>
        %dma_wait3A_202 = arith.constant 0 : i32
        %dma_wait3A_203 = arith.constant 0 : i32
        %dma_wait3A_204 = tpu.memref_slice %arg6[%dma_wait3A_193, %dma_wait3A_202, %dma_wait3A_203] : memref<2x128x128xf32, #tpu.memory_space<vmem>> -> memref<1x128x128xf32, #tpu.memory_space<vmem>>
        %dma_wait3A_205 = tpu.memref_squeeze %dma_wait3A_204 : memref<1x128x128xf32, #tpu.memory_space<vmem>> -> memref<128x128xf32, #tpu.memory_space<vmem>>
        tpu.wait_dma2 semaphore(%arg10 : memref<!tpu.dma_semaphore, #tpu.memory_space<semaphore_mem>>) src(%dma_wait3A_205 : memref<128x128xf32, #tpu.memory_space<vmem>>) dst(%dma_wait3A_201 : memref<128x128xf32, #tpu.memory_space<hbm>>)
      } else {
      }
      %mul3A_165 = arith.constant 32 : i32
      %mul3A_166 = arith.muli %add3A_132, %mul3A_165 : i32
      %add3A_167 = arith.addi %mul3A_166, %add3A : i32
      %rem3A_168 = arith.constant 3906 : i32
      %rem3A_169 = arith.remsi %add3A_167, %rem3A_168 : i32
      %mul3A_170 = arith.constant 128 : i32
      %mul3A_171 = arith.muli %rem3A_169, %mul3A_170 : i32
      %dma_start3A_172 = arith.constant 1 : i32
      %dma_start3A_173 = arith.constant 0 : i32
      %dma_start3A_174 = arith.constant 0 : i32
      %dma_start3A_175 = tpu.memref_slice %arg6[%dma_start3A_172, %dma_start3A_173, %dma_start3A_174] : memref<2x128x128xf32, #tpu.memory_space<vmem>> -> memref<1x128x128xf32, #tpu.memory_space<vmem>>
      %dma_start3A_176 = tpu.memref_squeeze %dma_start3A_175 : memref<1x128x128xf32, #tpu.memory_space<vmem>> -> memref<128x128xf32, #tpu.memory_space<vmem>>
      %dma_start3A_177 = arith.constant 0 : i32
      %dma_start3A_178 = tpu.memref_slice %arg4[%mul3A_171, %dma_start3A_177] : memref<500000x128xf32, #tpu.memory_space<hbm>> -> memref<128x128xf32, #tpu.memory_space<hbm>>
      %dma_start3A_179 = arith.constant 0 : i32
      %dma_start3A_180 = tpu.memref_slice %arg4[%mul3A_171, %dma_start3A_179] : memref<500000x128xf32, #tpu.memory_space<hbm>> -> memref<128x128xf32, #tpu.memory_space<hbm>>
      %dma_start3A_181 = arith.constant 0 : i32
      %dma_start3A_182 = arith.constant 0 : i32
      %dma_start3A_183 = tpu.memref_slice %arg6[%dma_start3A_172, %dma_start3A_181, %dma_start3A_182] : memref<2x128x128xf32, #tpu.memory_space<vmem>> -> memref<1x128x128xf32, #tpu.memory_space<vmem>>
      %dma_start3A_184 = tpu.memref_squeeze %dma_start3A_183 : memref<1x128x128xf32, #tpu.memory_space<vmem>> -> memref<128x128xf32, #tpu.memory_space<vmem>>
      tpu.enqueue_dma source(%dma_start3A_184 : memref<128x128xf32, #tpu.memory_space<vmem>>) target(%dma_start3A_180 : memref<128x128xf32, #tpu.memory_space<hbm>>) target_semaphore(%arg10 : memref<!tpu.dma_semaphore, #tpu.memory_space<semaphore_mem>>)
    }
    %scan3A_34 = arith.constant 62 : i32
    %add3A_35 = arith.constant 3904 : i32
    %add3A_36 = arith.addi %add3A_35, %add3A : i32
    %rem3A_37 = arith.constant 3906 : i32
    %rem3A_38 = arith.remsi %add3A_36, %rem3A_37 : i32
    %mul3A_39 = arith.constant 128 : i32
    %mul3A_40 = arith.muli %rem3A_38, %mul3A_39 : i32
    %dma_wait3A = arith.constant 0 : i32
    %dma_wait3A_41 = arith.constant 0 : i32
    %dma_wait3A_42 = arith.constant 0 : i32
    %dma_wait3A_43 = tpu.memref_slice %arg6[%dma_wait3A, %dma_wait3A_41, %dma_wait3A_42] : memref<2x128x128xf32, #tpu.memory_space<vmem>> -> memref<1x128x128xf32, #tpu.memory_space<vmem>>
    %dma_wait3A_44 = tpu.memref_squeeze %dma_wait3A_43 : memref<1x128x128xf32, #tpu.memory_space<vmem>> -> memref<128x128xf32, #tpu.memory_space<vmem>>
    %dma_wait3A_45 = arith.constant 0 : i32
    %dma_wait3A_46 = tpu.memref_slice %arg4[%mul3A_40, %dma_wait3A_45] : memref<500000x128xf32, #tpu.memory_space<hbm>> -> memref<128x128xf32, #tpu.memory_space<hbm>>
    %dma_wait3A_47 = arith.constant 0 : i32
    %dma_wait3A_48 = tpu.memref_slice %arg4[%mul3A_40, %dma_wait3A_47] : memref<500000x128xf32, #tpu.memory_space<hbm>> -> memref<128x128xf32, #tpu.memory_space<hbm>>
    %dma_wait3A_49 = arith.constant 0 : i32
    %dma_wait3A_50 = arith.constant 0 : i32
    %dma_wait3A_51 = tpu.memref_slice %arg6[%dma_wait3A, %dma_wait3A_49, %dma_wait3A_50] : memref<2x128x128xf32, #tpu.memory_space<vmem>> -> memref<1x128x128xf32, #tpu.memory_space<vmem>>
    %dma_wait3A_52 = tpu.memref_squeeze %dma_wait3A_51 : memref<1x128x128xf32, #tpu.memory_space<vmem>> -> memref<128x128xf32, #tpu.memory_space<vmem>>
    tpu.wait_dma2 semaphore(%arg9 : memref<!tpu.dma_semaphore, #tpu.memory_space<semaphore_mem>>) src(%dma_wait3A_52 : memref<128x128xf32, #tpu.memory_space<vmem>>) dst(%dma_wait3A_48 : memref<128x128xf32, #tpu.memory_space<hbm>>)
    %add3A_53 = arith.constant 3936 : i32
    %add3A_54 = arith.addi %add3A_53, %add3A : i32
    %rem3A_55 = arith.constant 3906 : i32
    %rem3A_56 = arith.remsi %add3A_54, %rem3A_55 : i32
    %mul3A_57 = arith.constant 128 : i32
    %mul3A_58 = arith.muli %rem3A_56, %mul3A_57 : i32
    %dma_wait3A_59 = arith.constant 1 : i32
    %dma_wait3A_60 = arith.constant 0 : i32
    %dma_wait3A_61 = arith.constant 0 : i32
    %dma_wait3A_62 = tpu.memref_slice %arg6[%dma_wait3A_59, %dma_wait3A_60, %dma_wait3A_61] : memref<2x128x128xf32, #tpu.memory_space<vmem>> -> memref<1x128x128xf32, #tpu.memory_space<vmem>>
    %dma_wait3A_63 = tpu.memref_squeeze %dma_wait3A_62 : memref<1x128x128xf32, #tpu.memory_space<vmem>> -> memref<128x128xf32, #tpu.memory_space<vmem>>
    %dma_wait3A_64 = arith.constant 0 : i32
    %dma_wait3A_65 = tpu.memref_slice %arg4[%mul3A_58, %dma_wait3A_64] : memref<500000x128xf32, #tpu.memory_space<hbm>> -> memref<128x128xf32, #tpu.memory_space<hbm>>
    %dma_wait3A_66 = arith.constant 0 : i32
    %dma_wait3A_67 = tpu.memref_slice %arg4[%mul3A_58, %dma_wait3A_66] : memref<500000x128xf32, #tpu.memory_space<hbm>> -> memref<128x128xf32, #tpu.memory_space<hbm>>
    %dma_wait3A_68 = arith.constant 0 : i32
    %dma_wait3A_69 = arith.constant 0 : i32
    %dma_wait3A_70 = tpu.memref_slice %arg6[%dma_wait3A_59, %dma_wait3A_68, %dma_wait3A_69] : memref<2x128x128xf32, #tpu.memory_space<vmem>> -> memref<1x128x128xf32, #tpu.memory_space<vmem>>
    %dma_wait3A_71 = tpu.memref_squeeze %dma_wait3A_70 : memref<1x128x128xf32, #tpu.memory_space<vmem>> -> memref<128x128xf32, #tpu.memory_space<vmem>>
    tpu.wait_dma2 semaphore(%arg10 : memref<!tpu.dma_semaphore, #tpu.memory_space<semaphore_mem>>) src(%dma_wait3A_71 : memref<128x128xf32, #tpu.memory_space<vmem>>) dst(%dma_wait3A_67 : memref<128x128xf32, #tpu.memory_space<hbm>>)
    %eq3A = arith.constant 31 : i32
    %eq3A_72 = arith.cmpi eq, %add3A, %eq3A : i32
    %convert_element_type3A = arith.extui %eq3A_72 : i1 to i32
    %cond3A = arith.constant 0 : i32
    %cond3A_73 = arith.cmpi ne, %convert_element_type3A, %cond3A : i32
    scf.if %cond3A_73 {
      %run_scoped3A = arith.constant 0 : i32
      "tpu.region"() ({
        %run_scoped3A_75 = tpu.sem_alloc : memref<!tpu.dma_semaphore, #tpu.memory_space<semaphore_mem>>
        %dma_start3A_76 = arith.constant 0 : i32
        %dma_start3A_77 = arith.constant 0 : i32
        %dma_start3A_78 = tpu.memref_slice %arg6[%run_scoped3A, %dma_start3A_76, %dma_start3A_77] : memref<2x128x128xf32, #tpu.memory_space<vmem>> -> memref<1x128x128xf32, #tpu.memory_space<vmem>>
        %dma_start3A_79 = tpu.memref_squeeze %dma_start3A_78 : memref<1x128x128xf32, #tpu.memory_space<vmem>> -> memref<128x128xf32, #tpu.memory_space<vmem>>
        %dma_start3A_80 = arith.constant 0 : i32
        %dma_start3A_81 = arith.constant 0 : i32
        %dma_start3A_82 = tpu.memref_slice %dma_start3A_79[%dma_start3A_80, %dma_start3A_81] : memref<128x128xf32, #tpu.memory_space<vmem>> -> memref<32x128xf32, #tpu.memory_space<vmem>>
        %dma_start3A_83 = arith.constant 0 : i32
        %dma_start3A_84 = arith.constant 0 : i32
        %dma_start3A_85 = tpu.memref_slice %arg6[%run_scoped3A, %dma_start3A_83, %dma_start3A_84] : memref<2x128x128xf32, #tpu.memory_space<vmem>> -> memref<1x128x128xf32, #tpu.memory_space<vmem>>
        %dma_start3A_86 = tpu.memref_squeeze %dma_start3A_85 : memref<1x128x128xf32, #tpu.memory_space<vmem>> -> memref<128x128xf32, #tpu.memory_space<vmem>>
        %dma_start3A_87 = arith.constant 0 : i32
        %dma_start3A_88 = arith.constant 0 : i32
        %dma_start3A_89 = tpu.memref_slice %dma_start3A_86[%dma_start3A_87, %dma_start3A_88] : memref<128x128xf32, #tpu.memory_space<vmem>> -> memref<32x128xf32, #tpu.memory_space<vmem>>
        tpu.enqueue_dma source(%arg3 : memref<32x128xf32, #tpu.memory_space<hbm>>) target(%dma_start3A_89 : memref<32x128xf32, #tpu.memory_space<vmem>>) target_semaphore(%run_scoped3A_75 : memref<!tpu.dma_semaphore, #tpu.memory_space<semaphore_mem>>)
        %dma_wait3A_90 = arith.constant 0 : i32
        %dma_wait3A_91 = arith.constant 0 : i32
        %dma_wait3A_92 = tpu.memref_slice %arg6[%run_scoped3A, %dma_wait3A_90, %dma_wait3A_91] : memref<2x128x128xf32, #tpu.memory_space<vmem>> -> memref<1x128x128xf32, #tpu.memory_space<vmem>>
        %dma_wait3A_93 = tpu.memref_squeeze %dma_wait3A_92 : memref<1x128x128xf32, #tpu.memory_space<vmem>> -> memref<128x128xf32, #tpu.memory_space<vmem>>
        %dma_wait3A_94 = arith.constant 0 : i32
        %dma_wait3A_95 = arith.constant 0 : i32
        %dma_wait3A_96 = tpu.memref_slice %dma_wait3A_93[%dma_wait3A_94, %dma_wait3A_95] : memref<128x128xf32, #tpu.memory_space<vmem>> -> memref<32x128xf32, #tpu.memory_space<vmem>>
        %dma_wait3A_97 = arith.constant 0 : i32
        %dma_wait3A_98 = arith.constant 0 : i32
        %dma_wait3A_99 = tpu.memref_slice %arg6[%run_scoped3A, %dma_wait3A_97, %dma_wait3A_98] : memref<2x128x128xf32, #tpu.memory_space<vmem>> -> memref<1x128x128xf32, #tpu.memory_space<vmem>>
        %dma_wait3A_100 = tpu.memref_squeeze %dma_wait3A_99 : memref<1x128x128xf32, #tpu.memory_space<vmem>> -> memref<128x128xf32, #tpu.memory_space<vmem>>
        %dma_wait3A_101 = arith.constant 0 : i32
        %dma_wait3A_102 = arith.constant 0 : i32
        %dma_wait3A_103 = tpu.memref_slice %dma_wait3A_100[%dma_wait3A_101, %dma_wait3A_102] : memref<128x128xf32, #tpu.memory_space<vmem>> -> memref<32x128xf32, #tpu.memory_space<vmem>>
        tpu.wait_dma2 semaphore(%run_scoped3A_75 : memref<!tpu.dma_semaphore, #tpu.memory_space<semaphore_mem>>) src(%arg3 : memref<32x128xf32, #tpu.memory_space<hbm>>) dst(%dma_wait3A_103 : memref<32x128xf32, #tpu.memory_space<vmem>>)
        tpu.yield
      }) : () -> ()
      %run_scoped3A_74 = arith.constant 0 : i32
      "tpu.region"() ({
        %run_scoped3A_75 = tpu.sem_alloc : memref<!tpu.dma_semaphore, #tpu.memory_space<semaphore_mem>>
        %dma_start3A_76 = arith.constant 0 : i32
        %dma_start3A_77 = arith.constant 0 : i32
        %dma_start3A_78 = tpu.memref_slice %arg6[%run_scoped3A_74, %dma_start3A_76, %dma_start3A_77] : memref<2x128x128xf32, #tpu.memory_space<vmem>> -> memref<1x128x128xf32, #tpu.memory_space<vmem>>
        %dma_start3A_79 = tpu.memref_squeeze %dma_start3A_78 : memref<1x128x128xf32, #tpu.memory_space<vmem>> -> memref<128x128xf32, #tpu.memory_space<vmem>>
        %dma_start3A_80 = arith.constant 0 : i32
        %dma_start3A_81 = arith.constant 0 : i32
        %dma_start3A_82 = tpu.memref_slice %dma_start3A_79[%dma_start3A_80, %dma_start3A_81] : memref<128x128xf32, #tpu.memory_space<vmem>> -> memref<32x128xf32, #tpu.memory_space<vmem>>
        %dma_start3A_83 = arith.constant 499968 : i32
        %dma_start3A_84 = arith.constant 0 : i32
        %dma_start3A_85 = tpu.memref_slice %arg4[%dma_start3A_83, %dma_start3A_84] : memref<500000x128xf32, #tpu.memory_space<hbm>> -> memref<32x128xf32, #tpu.memory_space<hbm>>
        %dma_start3A_86 = arith.constant 499968 : i32
        %dma_start3A_87 = arith.constant 0 : i32
        %dma_start3A_88 = tpu.memref_slice %arg4[%dma_start3A_86, %dma_start3A_87] : memref<500000x128xf32, #tpu.memory_space<hbm>> -> memref<32x128xf32, #tpu.memory_space<hbm>>
        %dma_start3A_89 = arith.constant 0 : i32
        %dma_start3A_90 = arith.constant 0 : i32
        %dma_start3A_91 = tpu.memref_slice %arg6[%run_scoped3A_74, %dma_start3A_89, %dma_start3A_90] : memref<2x128x128xf32, #tpu.memory_space<vmem>> -> memref<1x128x128xf32, #tpu.memory_space<vmem>>
        %dma_start3A_92 = tpu.memref_squeeze %dma_start3A_91 : memref<1x128x128xf32, #tpu.memory_space<vmem>> -> memref<128x128xf32, #tpu.memory_space<vmem>>
        %dma_start3A_93 = arith.constant 0 : i32
        %dma_start3A_94 = arith.constant 0 : i32
        %dma_start3A_95 = tpu.memref_slice %dma_start3A_92[%dma_start3A_93, %dma_start3A_94] : memref<128x128xf32, #tpu.memory_space<vmem>> -> memref<32x128xf32, #tpu.memory_space<vmem>>
        tpu.enqueue_dma source(%dma_start3A_95 : memref<32x128xf32, #tpu.memory_space<vmem>>) target(%dma_start3A_88 : memref<32x128xf32, #tpu.memory_space<hbm>>) target_semaphore(%run_scoped3A_75 : memref<!tpu.dma_semaphore, #tpu.memory_space<semaphore_mem>>)
        %dma_wait3A_96 = arith.constant 0 : i32
        %dma_wait3A_97 = arith.constant 0 : i32
        %dma_wait3A_98 = tpu.memref_slice %arg6[%run_scoped3A_74, %dma_wait3A_96, %dma_wait3A_97] : memref<2x128x128xf32, #tpu.memory_space<vmem>> -> memref<1x128x128xf32, #tpu.memory_space<vmem>>
        %dma_wait3A_99 = tpu.memref_squeeze %dma_wait3A_98 : memref<1x128x128xf32, #tpu.memory_space<vmem>> -> memref<128x128xf32, #tpu.memory_space<vmem>>
        %dma_wait3A_100 = arith.constant 0 : i32
        %dma_wait3A_101 = arith.constant 0 : i32
        %dma_wait3A_102 = tpu.memref_slice %dma_wait3A_99[%dma_wait3A_100, %dma_wait3A_101] : memref<128x128xf32, #tpu.memory_space<vmem>> -> memref<32x128xf32, #tpu.memory_space<vmem>>
        %dma_wait3A_103 = arith.constant 499968 : i32
        %dma_wait3A_104 = arith.constant 0 : i32
        %dma_wait3A_105 = tpu.memref_slice %arg4[%dma_wait3A_103, %dma_wait3A_104] : memref<500000x128xf32, #tpu.memory_space<hbm>> -> memref<32x128xf32, #tpu.memory_space<hbm>>
        %dma_wait3A_106 = arith.constant 499968 : i32
        %dma_wait3A_107 = arith.constant 0 : i32
        %dma_wait3A_108 = tpu.memref_slice %arg4[%dma_wait3A_106, %dma_wait3A_107] : memref<500000x128xf32, #tpu.memory_space<hbm>> -> memref<32x128xf32, #tpu.memory_space<hbm>>
        %dma_wait3A_109 = arith.constant 0 : i32
        %dma_wait3A_110 = arith.constant 0 : i32
        %dma_wait3A_111 = tpu.memref_slice %arg6[%run_scoped3A_74, %dma_wait3A_109, %dma_wait3A_110] : memref<2x128x128xf32, #tpu.memory_space<vmem>> -> memref<1x128x128xf32, #tpu.memory_space<vmem>>
        %dma_wait3A_112 = tpu.memref_squeeze %dma_wait3A_111 : memref<1x128x128xf32, #tpu.memory_space<vmem>> -> memref<128x128xf32, #tpu.memory_space<vmem>>
        %dma_wait3A_113 = arith.constant 0 : i32
        %dma_wait3A_114 = arith.constant 0 : i32
        %dma_wait3A_115 = tpu.memref_slice %dma_wait3A_112[%dma_wait3A_113, %dma_wait3A_114] : memref<128x128xf32, #tpu.memory_space<vmem>> -> memref<32x128xf32, #tpu.memory_space<vmem>>
        tpu.wait_dma2 semaphore(%run_scoped3A_75 : memref<!tpu.dma_semaphore, #tpu.memory_space<semaphore_mem>>) src(%dma_wait3A_115 : memref<32x128xf32, #tpu.memory_space<vmem>>) dst(%dma_wait3A_108 : memref<32x128xf32, #tpu.memory_space<hbm>>)
        tpu.yield
      }) : () -> ()
    } else {
    }
    return
  }
}

#map = affine_map<(d0, d1) -> (0, 0)>
module attributes {stable_mosaic.version = 14 : i64} {
  func.func @gather_kernel(%arg0: i32, %arg1: i32, %arg2: memref<50x4096xi32, #tpu.memory_space<hbm>>, %arg3: memref<2000000x32xf32, #tpu.memory_space<hbm>>, %arg4: memref<409600x32xf32, #tpu.memory_space<hbm>>, %arg5: memref<50x128xi32, #tpu.memory_space<vmem>>, %arg6: memref<128xi32, #tpu.memory_space<vmem>>, %arg7: memref<128x32xf32, #tpu.memory_space<vmem>>, %arg8: memref<!tpu.dma_semaphore, #tpu.memory_space<semaphore_mem>>) attributes {dimension_semantics = [#tpu.dimension_semantics<core_parallel>, #tpu.dimension_semantics<subcore_parallel>], iteration_bounds = array<i64: 2, 16>, scalar_prefetch = 0 : i64, scratch_operands = 4 : i64, tpu.core_type = #tpu.core_type<sc_vector_subcore>, window_params = [{transform_indices = #map}, {transform_indices = #map}, {transform_indices = #map}]} {
    %mul3A = arith.constant 2 : i32
    %mul3A_0 = arith.muli %arg1, %mul3A : i32
    %add3A = arith.addi %mul3A_0, %arg0 : i32
    %mul3A_1 = arith.constant 128 : i32
    %mul3A_2 = arith.muli %add3A, %mul3A_1 : i32
    "tpu.region"() ({
      %run_scoped3A = tpu.sem_alloc : memref<!tpu.dma_semaphore, #tpu.memory_space<semaphore_mem>>
      %dma_start3A = arith.constant 0 : i32
      %dma_start3A_8 = tpu.memref_slice %arg2[%dma_start3A, %mul3A_2] : memref<50x4096xi32, #tpu.memory_space<hbm>> -> memref<50x128xi32, #tpu.memory_space<hbm>>
      %dma_start3A_9 = arith.constant 0 : i32
      %dma_start3A_10 = tpu.memref_slice %arg2[%dma_start3A_9, %mul3A_2] : memref<50x4096xi32, #tpu.memory_space<hbm>> -> memref<50x128xi32, #tpu.memory_space<hbm>>
      tpu.enqueue_dma source(%dma_start3A_10 : memref<50x128xi32, #tpu.memory_space<hbm>>) target(%arg5 : memref<50x128xi32, #tpu.memory_space<vmem>>) target_semaphore(%run_scoped3A : memref<!tpu.dma_semaphore, #tpu.memory_space<semaphore_mem>>)
      %dma_wait3A = arith.constant 0 : i32
      %dma_wait3A_11 = tpu.memref_slice %arg2[%dma_wait3A, %mul3A_2] : memref<50x4096xi32, #tpu.memory_space<hbm>> -> memref<50x128xi32, #tpu.memory_space<hbm>>
      %dma_wait3A_12 = arith.constant 0 : i32
      %dma_wait3A_13 = tpu.memref_slice %arg2[%dma_wait3A_12, %mul3A_2] : memref<50x4096xi32, #tpu.memory_space<hbm>> -> memref<50x128xi32, #tpu.memory_space<hbm>>
      tpu.wait_dma2 semaphore(%run_scoped3A : memref<!tpu.dma_semaphore, #tpu.memory_space<semaphore_mem>>) src(%dma_wait3A_13 : memref<50x128xi32, #tpu.memory_space<hbm>>) dst(%arg5 : memref<50x128xi32, #tpu.memory_space<vmem>>)
      tpu.yield
    }) : () -> ()
    %iota3A = tpu.iota {dimensions = array<i32: 0>} : vector<16xi32>
    %scan3A = arith.constant 0 : i32
    %scan3A_3 = arith.constant 0 : i32
    %scan3A_4 = arith.constant 100 : i32
    %scan3A_5 = arith.addi %scan3A_3, %scan3A_4 : i32
    %scan3A_6 = arith.constant 1 : i32
    scf.for %scan3A_8 = %scan3A_3 to %scan3A_5 step %scan3A_6  : i32 {
      %jit3A = arith.constant 2 : i32
      %div3A = arith.divsi %scan3A_8, %jit3A : i32
      %sign3A = arith.constant 0 : i32
      %sign3A_9 = arith.cmpi sgt, %scan3A_8, %sign3A : i32
      %sign3A_10 = arith.extui %sign3A_9 : i1 to i32
      %sign3A_11 = arith.constant 0 : i32
      %sign3A_12 = arith.cmpi slt, %scan3A_8, %sign3A_11 : i32
      %sign3A_13 = arith.extui %sign3A_12 : i1 to i32
      %sign3A_14 = arith.subi %sign3A_10, %sign3A_13 : i32
      %sign3A_15 = arith.constant 0 : i32
      %sign3A_16 = arith.cmpi sgt, %jit3A, %sign3A_15 : i32
      %sign3A_17 = arith.extui %sign3A_16 : i1 to i32
      %sign3A_18 = arith.constant 0 : i32
      %sign3A_19 = arith.cmpi slt, %jit3A, %sign3A_18 : i32
      %sign3A_20 = arith.extui %sign3A_19 : i1 to i32
      %sign3A_21 = arith.subi %sign3A_17, %sign3A_20 : i32
      %ne3A = arith.cmpi ne, %sign3A_14, %sign3A_21 : i32
      %rem3A = arith.remsi %scan3A_8, %jit3A : i32
      %ne3A_22 = arith.constant 0 : i32
      %ne3A_23 = arith.cmpi ne, %rem3A, %ne3A_22 : i32
      %and3A = arith.andi %ne3A, %ne3A_23 : i1
      %sub3A = arith.constant 1 : i32
      %sub3A_24 = arith.subi %div3A, %sub3A : i32
      %select_n3A = arith.select %and3A, %sub3A_24, %div3A : i32
      %jit3A_25 = arith.constant 2 : i32
      %eq3A = arith.constant 0 : i32
      %eq3A_26 = arith.cmpi eq, %jit3A_25, %eq3A : i32
      %jit3A_27 = arith.constant 1 : i32
      %select_n3A_28 = arith.select %eq3A_26, %jit3A_27, %jit3A_25 : i32
      %rem3A_29 = arith.remsi %scan3A_8, %select_n3A_28 : i32
      %ne3A_30 = arith.constant 0 : i32
      %ne3A_31 = arith.cmpi ne, %rem3A_29, %ne3A_30 : i32
      %lt3A = arith.constant 0 : i32
      %lt3A_32 = arith.cmpi slt, %rem3A_29, %lt3A : i32
      %lt3A_33 = arith.constant 0 : i32
      %lt3A_34 = arith.cmpi slt, %select_n3A_28, %lt3A_33 : i32
      %ne3A_35 = arith.xori %lt3A_32, %lt3A_34 : i1
      %and3A_36 = arith.andi %ne3A_35, %ne3A_31 : i1
      %add3A_37 = arith.addi %rem3A_29, %select_n3A_28 : i32
      %select_n3A_38 = arith.select %and3A_36, %add3A_37, %rem3A_29 : i32
      %mul3A_39 = arith.constant 64 : i32
      %mul3A_40 = arith.muli %select_n3A_38, %mul3A_39 : i32
      %add3A_41 = arith.constant 0 : i32
      %add3A_42 = arith.addi %mul3A_40, %add3A_41 : i32
      %get3A = arith.index_cast %select_n3A : i32 to index
      %get3A_43 = arith.index_cast %add3A_42 : i32 to index
      %get3A_44 = tpu.vector_load %arg5[%get3A, %get3A_43] {strides = array<i32>} : memref<50x128xi32, #tpu.memory_space<vmem>>, vector<16xi32>,
      %mul3A_45 = arith.constant 2 : i32
      %mul3A_46 = vector.broadcast %mul3A_45 : i32 to vector<16xi32>
      %mul3A_47 = arith.muli %get3A_44, %mul3A_46 : vector<16xi32>
      %mul3A_48 = arith.constant 2 : i32
      %mul3A_49 = vector.broadcast %mul3A_48 : i32 to vector<16xi32>
      %mul3A_50 = arith.muli %iota3A, %mul3A_49 : vector<16xi32>
      %add3A_51 = arith.constant 0 : i32
      %add3A_52 = vector.broadcast %add3A_51 : i32 to vector<16xi32>
      %add3A_53 = arith.addi %mul3A_50, %add3A_52 : vector<16xi32>
      tpu.vector_store_idx %arg6[%add3A_53], %mul3A_47 : memref<128xi32, #tpu.memory_space<vmem>>[vector<16xi32>], vector<16xi32>,
      %mul3A_54 = arith.constant 2 : i32
      %mul3A_55 = vector.broadcast %mul3A_54 : i32 to vector<16xi32>
      %mul3A_56 = arith.muli %iota3A, %mul3A_55 : vector<16xi32>
      %add3A_57 = arith.constant 1 : i32
      %add3A_58 = vector.broadcast %add3A_57 : i32 to vector<16xi32>
      %add3A_59 = arith.addi %mul3A_56, %add3A_58 : vector<16xi32>
      %add3A_60 = arith.constant 0 : i32
      %add3A_61 = vector.broadcast %add3A_60 : i32 to vector<16xi32>
      %add3A_62 = arith.addi %add3A_59, %add3A_61 : vector<16xi32>
      %add3A_63 = arith.constant 1 : i32
      %add3A_64 = vector.broadcast %add3A_63 : i32 to vector<16xi32>
      %add3A_65 = arith.addi %mul3A_47, %add3A_64 : vector<16xi32>
      tpu.vector_store_idx %arg6[%add3A_62], %add3A_65 : memref<128xi32, #tpu.memory_space<vmem>>[vector<16xi32>], vector<16xi32>,
      %mul3A_66 = arith.constant 64 : i32
      %mul3A_67 = arith.muli %select_n3A_38, %mul3A_66 : i32
      %add3A_68 = arith.constant 16 : i32
      %add3A_69 = arith.addi %mul3A_67, %add3A_68 : i32
      %get3A_70 = arith.index_cast %select_n3A : i32 to index
      %get3A_71 = arith.index_cast %add3A_69 : i32 to index
      %get3A_72 = tpu.vector_load %arg5[%get3A_70, %get3A_71] {strides = array<i32>} : memref<50x128xi32, #tpu.memory_space<vmem>>, vector<16xi32>,
      %mul3A_73 = arith.constant 2 : i32
      %mul3A_74 = vector.broadcast %mul3A_73 : i32 to vector<16xi32>
      %mul3A_75 = arith.muli %get3A_72, %mul3A_74 : vector<16xi32>
      %mul3A_76 = arith.constant 2 : i32
      %mul3A_77 = vector.broadcast %mul3A_76 : i32 to vector<16xi32>
      %mul3A_78 = arith.muli %iota3A, %mul3A_77 : vector<16xi32>
      %add3A_79 = arith.constant 32 : i32
      %add3A_80 = vector.broadcast %add3A_79 : i32 to vector<16xi32>
      %add3A_81 = arith.addi %mul3A_78, %add3A_80 : vector<16xi32>
      tpu.vector_store_idx %arg6[%add3A_81], %mul3A_75 : memref<128xi32, #tpu.memory_space<vmem>>[vector<16xi32>], vector<16xi32>,
      %mul3A_82 = arith.constant 2 : i32
      %mul3A_83 = vector.broadcast %mul3A_82 : i32 to vector<16xi32>
      %mul3A_84 = arith.muli %iota3A, %mul3A_83 : vector<16xi32>
      %add3A_85 = arith.constant 1 : i32
      %add3A_86 = vector.broadcast %add3A_85 : i32 to vector<16xi32>
      %add3A_87 = arith.addi %mul3A_84, %add3A_86 : vector<16xi32>
      %add3A_88 = arith.constant 32 : i32
      %add3A_89 = vector.broadcast %add3A_88 : i32 to vector<16xi32>
      %add3A_90 = arith.addi %add3A_87, %add3A_89 : vector<16xi32>
      %add3A_91 = arith.constant 1 : i32
      %add3A_92 = vector.broadcast %add3A_91 : i32 to vector<16xi32>
      %add3A_93 = arith.addi %mul3A_75, %add3A_92 : vector<16xi32>
      tpu.vector_store_idx %arg6[%add3A_90], %add3A_93 : memref<128xi32, #tpu.memory_space<vmem>>[vector<16xi32>], vector<16xi32>,
      %mul3A_94 = arith.constant 64 : i32
      %mul3A_95 = arith.muli %select_n3A_38, %mul3A_94 : i32
      %add3A_96 = arith.constant 32 : i32
      %add3A_97 = arith.addi %mul3A_95, %add3A_96 : i32
      %get3A_98 = arith.index_cast %select_n3A : i32 to index
      %get3A_99 = arith.index_cast %add3A_97 : i32 to index
      %get3A_100 = tpu.vector_load %arg5[%get3A_98, %get3A_99] {strides = array<i32>} : memref<50x128xi32, #tpu.memory_space<vmem>>, vector<16xi32>,
      %mul3A_101 = arith.constant 2 : i32
      %mul3A_102 = vector.broadcast %mul3A_101 : i32 to vector<16xi32>
      %mul3A_103 = arith.muli %get3A_100, %mul3A_102 : vector<16xi32>
      %mul3A_104 = arith.constant 2 : i32
      %mul3A_105 = vector.broadcast %mul3A_104 : i32 to vector<16xi32>
      %mul3A_106 = arith.muli %iota3A, %mul3A_105 : vector<16xi32>
      %add3A_107 = arith.constant 64 : i32
      %add3A_108 = vector.broadcast %add3A_107 : i32 to vector<16xi32>
      %add3A_109 = arith.addi %mul3A_106, %add3A_108 : vector<16xi32>
      tpu.vector_store_idx %arg6[%add3A_109], %mul3A_103 : memref<128xi32, #tpu.memory_space<vmem>>[vector<16xi32>], vector<16xi32>,
      %mul3A_110 = arith.constant 2 : i32
      %mul3A_111 = vector.broadcast %mul3A_110 : i32 to vector<16xi32>
      %mul3A_112 = arith.muli %iota3A, %mul3A_111 : vector<16xi32>
      %add3A_113 = arith.constant 1 : i32
      %add3A_114 = vector.broadcast %add3A_113 : i32 to vector<16xi32>
      %add3A_115 = arith.addi %mul3A_112, %add3A_114 : vector<16xi32>
      %add3A_116 = arith.constant 64 : i32
      %add3A_117 = vector.broadcast %add3A_116 : i32 to vector<16xi32>
      %add3A_118 = arith.addi %add3A_115, %add3A_117 : vector<16xi32>
      %add3A_119 = arith.constant 1 : i32
      %add3A_120 = vector.broadcast %add3A_119 : i32 to vector<16xi32>
      %add3A_121 = arith.addi %mul3A_103, %add3A_120 : vector<16xi32>
      tpu.vector_store_idx %arg6[%add3A_118], %add3A_121 : memref<128xi32, #tpu.memory_space<vmem>>[vector<16xi32>], vector<16xi32>,
      %mul3A_122 = arith.constant 64 : i32
      %mul3A_123 = arith.muli %select_n3A_38, %mul3A_122 : i32
      %add3A_124 = arith.constant 48 : i32
      %add3A_125 = arith.addi %mul3A_123, %add3A_124 : i32
      %get3A_126 = arith.index_cast %select_n3A : i32 to index
      %get3A_127 = arith.index_cast %add3A_125 : i32 to index
      %get3A_128 = tpu.vector_load %arg5[%get3A_126, %get3A_127] {strides = array<i32>} : memref<50x128xi32, #tpu.memory_space<vmem>>, vector<16xi32>,
      %mul3A_129 = arith.constant 2 : i32
      %mul3A_130 = vector.broadcast %mul3A_129 : i32 to vector<16xi32>
      %mul3A_131 = arith.muli %get3A_128, %mul3A_130 : vector<16xi32>
      %mul3A_132 = arith.constant 2 : i32
      %mul3A_133 = vector.broadcast %mul3A_132 : i32 to vector<16xi32>
      %mul3A_134 = arith.muli %iota3A, %mul3A_133 : vector<16xi32>
      %add3A_135 = arith.constant 96 : i32
      %add3A_136 = vector.broadcast %add3A_135 : i32 to vector<16xi32>
      %add3A_137 = arith.addi %mul3A_134, %add3A_136 : vector<16xi32>
      tpu.vector_store_idx %arg6[%add3A_137], %mul3A_131 : memref<128xi32, #tpu.memory_space<vmem>>[vector<16xi32>], vector<16xi32>,
      %mul3A_138 = arith.constant 2 : i32
      %mul3A_139 = vector.broadcast %mul3A_138 : i32 to vector<16xi32>
      %mul3A_140 = arith.muli %iota3A, %mul3A_139 : vector<16xi32>
      %add3A_141 = arith.constant 1 : i32
      %add3A_142 = vector.broadcast %add3A_141 : i32 to vector<16xi32>
      %add3A_143 = arith.addi %mul3A_140, %add3A_142 : vector<16xi32>
      %add3A_144 = arith.constant 96 : i32
      %add3A_145 = vector.broadcast %add3A_144 : i32 to vector<16xi32>
      %add3A_146 = arith.addi %add3A_143, %add3A_145 : vector<16xi32>
      %add3A_147 = arith.constant 1 : i32
      %add3A_148 = vector.broadcast %add3A_147 : i32 to vector<16xi32>
      %add3A_149 = arith.addi %mul3A_131, %add3A_148 : vector<16xi32>
      tpu.vector_store_idx %arg6[%add3A_146], %add3A_149 : memref<128xi32, #tpu.memory_space<vmem>>[vector<16xi32>], vector<16xi32>,
      %dma_start3A = arith.constant 0 : i32
      %dma_start3A_150 = arith.constant 0 : i32
      %dma_start3A_151 = tpu.memref_slice %arg3[%dma_start3A, %dma_start3A_150] : memref<2000000x32xf32, #tpu.memory_space<hbm>> -> memref<2000000x32xf32, #tpu.memory_space<hbm>>
      tpu.enqueue_indirect_dma source(%dma_start3A_151 : memref<2000000x32xf32, #tpu.memory_space<hbm>>) target(%arg7 : memref<128x32xf32, #tpu.memory_space<vmem>>) offsets(%arg6 : memref<128xi32, #tpu.memory_space<vmem>>) semaphore(%arg8 : memref<!tpu.dma_semaphore, #tpu.memory_space<semaphore_mem>>)
      %dma_wait3A = arith.constant 0 : i32
      %dma_wait3A_152 = arith.constant 0 : i32
      %dma_wait3A_153 = tpu.memref_slice %arg3[%dma_wait3A, %dma_wait3A_152] : memref<2000000x32xf32, #tpu.memory_space<hbm>> -> memref<2000000x32xf32, #tpu.memory_space<hbm>>
      tpu.wait_indirect_dma semaphore(%arg8 : memref<!tpu.dma_semaphore, #tpu.memory_space<semaphore_mem>>) src(%dma_wait3A_153 : memref<2000000x32xf32, #tpu.memory_space<hbm>>) dst(%arg7 : memref<128x32xf32, #tpu.memory_space<vmem>>)
      %mul3A_154 = arith.constant 4096 : i32
      %mul3A_155 = arith.muli %select_n3A, %mul3A_154 : i32
      %add3A_156 = arith.addi %mul3A_155, %mul3A_2 : i32
      %mul3A_157 = arith.constant 64 : i32
      %mul3A_158 = arith.muli %select_n3A_38, %mul3A_157 : i32
      %add3A_159 = arith.addi %add3A_156, %mul3A_158 : i32
      %mul3A_160 = arith.constant 2 : i32
      %mul3A_161 = arith.muli %mul3A_160, %add3A_159 : i32
      "tpu.region"() ({
        %run_scoped3A = tpu.sem_alloc : memref<!tpu.dma_semaphore, #tpu.memory_space<semaphore_mem>>
        %dma_start3A_162 = arith.constant 0 : i32
        %dma_start3A_163 = tpu.memref_slice %arg4[%mul3A_161, %dma_start3A_162] : memref<409600x32xf32, #tpu.memory_space<hbm>> -> memref<128x32xf32, #tpu.memory_space<hbm>>
        %dma_start3A_164 = arith.constant 0 : i32
        %dma_start3A_165 = tpu.memref_slice %arg4[%mul3A_161, %dma_start3A_164] : memref<409600x32xf32, #tpu.memory_space<hbm>> -> memref<128x32xf32, #tpu.memory_space<hbm>>
        tpu.enqueue_dma source(%arg7 : memref<128x32xf32, #tpu.memory_space<vmem>>) target(%dma_start3A_165 : memref<128x32xf32, #tpu.memory_space<hbm>>) target_semaphore(%run_scoped3A : memref<!tpu.dma_semaphore, #tpu.memory_space<semaphore_mem>>)
        %dma_wait3A_166 = arith.constant 0 : i32
        %dma_wait3A_167 = tpu.memref_slice %arg4[%mul3A_161, %dma_wait3A_166] : memref<409600x32xf32, #tpu.memory_space<hbm>> -> memref<128x32xf32, #tpu.memory_space<hbm>>
        %dma_wait3A_168 = arith.constant 0 : i32
        %dma_wait3A_169 = tpu.memref_slice %arg4[%mul3A_161, %dma_wait3A_168] : memref<409600x32xf32, #tpu.memory_space<hbm>> -> memref<128x32xf32, #tpu.memory_space<hbm>>
        tpu.wait_dma2 semaphore(%run_scoped3A : memref<!tpu.dma_semaphore, #tpu.memory_space<semaphore_mem>>) src(%arg7 : memref<128x32xf32, #tpu.memory_space<vmem>>) dst(%dma_wait3A_169 : memref<128x32xf32, #tpu.memory_space<hbm>>)
        tpu.yield
      }) : () -> ()
    }
    %scan3A_7 = arith.constant 100 : i32
    return
  }
}

</mosaic_0001>

<sc_bundles>
// kernel: kernel.4.cloned.1.call-start
scs
__scs_entry_jumppad:
0x0: {  	(pc) =	sbr.rel $0x88, $3  }
0x1: {  	(tag) =	ssettag $0x0;
	lr =	simm.s32 $0x1  }
0x2: {  	[smem:$0x3F9F] =	sst lr;
	_ =	strace $0xD0000000  }
0x3: {  	_ = 	snop  }
0x4: {  	_ = 	snop  }
0x5: {  	_ = 	snop  }
0x6: {  	_ = 	snop  }
0x7: {  	_ = 	snop  }
__scs_overlays_trampoline_lowered:
0x8: {  	[smem:$0x3FAE] =	sst s0  }
0x9: {  	[smem:$0x3FAF] =	sst s1  }
0xa: {  	[smem:$0x3FB0] =	sst s2  }
0xb: {  	[smem:$0x3FB1] =	sst s3  }
0xc: {  	[smem:$0x3FB2] =	sst s4  }
0xd: {  	[smem:$0x3FB3] =	sst s5  }
0xe: {  	[smem:$0x3FB4] =	sst s6  }
0xf: {  	[smem:$0x3FB5] =	sst s7  }
0x10: {  	[smem:$0x3FB6] =	sst s8  }
0x11: {  	[smem:$0x3FB7] =	sst s9;
	s0 =	simm.s32 @!p0 $0x0  }
0x12: {  	s1 =	sld [smem:$0x3F9D];
	s0 =	simm.s32 @p0 $0x1  }
0x13: {  	[smem:$0x3FB8] =	sst s0;
	s0 =	simm.s32 @!p1 $0x0  }
0x14: {  	s2 =	sld [smem:$0x3F9C];
	s0 =	simm.s32 @p1 $0x1  }
0x15: {  	[smem:$0x3FB9] =	sst s0;
	s0 =	simm.s32 @!p2 $0x0  }
0x16: {  	s3 =	sld [smem:$0x3FDB];
	s0 =	simm.s32 @p2 $0x1  }
0x17: {  	s4 =	simm.s32 $0x1BF5;
	[smem:$0x3FBB] =	sst s0  }
0x18: {  	s0 =	sld [smem:$0x3F9E];
	_ =	swait.ge [sflag:s4], $0x0  }
0x19: {  	s7 =	sld [smem:$0x3F9F]  }
0x1a: {  	s8 =	sadd.s32 $0xFFFFE003, lr  }
0x1b: {  	s9 =	sadd.s32 $0xFFFFFEF7, lr;
	s5 =	simm.s32 $0xFFFFFFFF;
	p2 =	slt.u32 s8, $0xFFFFF086  }
0x1c: {  	p1 =	slt.u32 s9, $0xF7A;
	s5 =	simm.s32 @!p2 $0x0  }
0x1d: {  	s5 =	simm.s32 @p1 $0x1;
	p0 =	seq.s32 s7, s2  }
0x1e: {  	s7 =	smul.u32 @!p0 $0xF7A, s2;
	p2 =	seq.s32 @!p0 s5, $0x0  }
0x1f: {  	s9 =	smul.u32 $0xF7A, s1;
	s8 =	simm.s32 @!p0 $0x1BF5;
	p2 =	por !p2, p0  }
0x20: {  	[sflag:s8] =	ssyncset.s32 @!p0 $0xFFFFF086;
	s6 =	sadd.s32 @!p0 s3, s7;
	s7 =	simm.s32 @!p0 $0x108  }
0x21: {  	s3 =	sadd.s32 s3, s9;
	s6 =	sadd.s32 @!p0 $0x88, s6;
	s7 =	simm.s32 @p2 $0x1082  }
0x22: {  	[simem:s7], [sflag:s8] =	dma.local @!p0 [hbm:s6], $0xF7A  }
0x23: {  	s9 =	sor.u32 $0xD0000000, s2;
	s6 =	simm.s32 $0x108;
	_ =	swait.ge @!p0 [sflag:s8], $0x0  }
0x24: {  	s3 =	sadd.s32 $0x88, s3;
	s6 =	simm.s32 @!p1 $0x1082;
	[sflag:s4] =	ssyncset.s32 $0xFFFFF086  }
0x25: {  	[simem:s6], [sflag:s4] =	dma.local [hbm:s3], $0xF7A  }
0x26: {  	[smem:$0x3F9F] =	sst s1;
	(tag) =	ssettag s2;
	_ =	strace s9  }
0x27: {  	s1 =	sld [smem:$0x3FAF]  }
0x28: {  	s2 =	sld [smem:$0x3FB0]  }
0x29: {  	s4 =	sld [smem:$0x3FB2]  }
0x2a: {  	p0 =	seq.s32 s5, $0x0;
	s5 =	sld [smem:$0x3FB3]  }
0x2b: {  	s6 =	sld [smem:$0x3FB4]  }
0x2c: {  	s7 =	sld [smem:$0x3FB5]  }
0x2d: {  	s3 =	simm.s32 $0x108;
	s8 =	sld [smem:$0x3FB6]  }
0x2e: {  	s3 =	simm.s32 @!p0 $0x1082;
	s9 =	sld [smem:$0x3FB7]  }
0x2f: {  	lr =	sadd.s32 s0, s3;
	s0 =	sld [smem:$0x3FAE]  }
0x30: {  	s3 =	sld [smem:$0x3FB1]  }
0x31: {  	[smem:$0x3FBA] =	sst s10  }
0x32: {  	s10 =	sld [smem:$0x3FB8];
	_ =	sdelay $0x3  }
0x33: {  	p0 =	seq.s32 s10, $0x1;
	s10 =	sld [smem:$0x3FBA];
	_ =	sdelay $0x3  }
0x34: {  	[smem:$0x3FBA] =	sst s10  }
0x35: {  	s10 =	sld [smem:$0x3FB9];
	_ =	sdelay $0x3  }
0x36: {  	p1 =	seq.s32 s10, $0x1;
	s10 =	sld [smem:$0x3FBA];
	_ =	sdelay $0x3  }
0x37: {  	[smem:$0x3FBA] =	sst s10  }
0x38: {  	s10 =	sld [smem:$0x3FBB]  }
0x39: {  	_ = 	snop;
	(pc) =	sbr.ind lr, $3  }
0x3a: {  	_ = 	snop  }
0x3b: {  	_ = 	snop  }
0x3c: {  	p2 =	seq.s32 s10, $0x1;
	s10 =	sld [smem:$0x3FBA]  }
0x3d: {  	_ =	shalt  }
0x3e: {  	_ =	shalt  }
0x3f: {  	_ =	shalt  }
0x40: {  	_ =	shalt  }
0x41: {  	_ =	shalt  }
0x42: {  	_ =	shalt  }
0x43: {  	_ =	shalt  }
0x44: {  	_ =	shalt  }
0x45: {  	_ =	shalt  }
0x46: {  	_ =	shalt  }
0x47: {  	_ =	shalt  }
0x48: {  	_ =	shalt  }
0x49: {  	_ =	shalt  }
0x4a: {  	_ =	shalt  }
0x4b: {  	_ =	shalt  }
0x4c: {  	_ =	shalt  }
0x4d: {  	_ =	shalt  }
0x4e: {  	_ =	shalt  }
0x4f: {  	_ =	shalt  }
0x50: {  	_ =	shalt  }
0x51: {  	_ =	shalt  }
0x52: {  	_ =	shalt  }
0x53: {  	_ =	shalt  }
0x54: {  	_ =	shalt  }
0x55: {  	_ =	shalt  }
0x56: {  	_ =	shalt  }
0x57: {  	_ =	shalt  }
0x58: {  	_ =	shalt  }
0x59: {  	_ =	shalt  }
0x5a: {  	_ =	shalt  }
0x5b: {  	_ =	shalt  }
0x5c: {  	_ =	shalt  }
0x5d: {  	_ =	shalt  }
0x5e: {  	_ =	shalt  }
0x5f: {  	_ =	shalt  }
0x60: {  	_ =	shalt  }
0x61: {  	_ =	shalt  }
0x62: {  	_ =	shalt  }
0x63: {  	_ =	shalt  }
0x64: {  	_ =	shalt  }
0x65: {  	_ =	shalt  }
0x66: {  	_ =	shalt  }
0x67: {  	_ =	shalt  }
0x68: {  	_ =	shalt  }
0x69: {  	_ =	shalt  }
0x6a: {  	_ =	shalt  }
0x6b: {  	_ =	shalt  }
0x6c: {  	_ =	shalt  }
0x6d: {  	_ =	shalt  }
0x6e: {  	_ =	shalt  }
0x6f: {  	_ =	shalt  }
0x70: {  	_ =	shalt  }
0x71: {  	_ =	shalt  }
0x72: {  	_ =	shalt  }
0x73: {  	_ =	shalt  }
0x74: {  	_ =	shalt  }
0x75: {  	_ =	shalt  }
0x76: {  	_ =	shalt  }
0x77: {  	_ =	shalt  }
0x78: {  	_ =	shalt  }
0x79: {  	_ =	shalt  }
0x7a: {  	_ =	shalt  }
0x7b: {  	_ =	shalt  }
0x7c: {  	_ =	shalt  }
0x7d: {  	_ =	shalt  }
0x7e: {  	_ =	shalt  }
0x7f: {  	_ =	shalt  }
0x80: {  	_ =	shalt  }
0x81: {  	_ =	shalt  }
0x82: {  	_ =	shalt  }
0x83: {  	_ =	shalt  }
0x84: {  	_ =	shalt  }
0x85: {  	_ =	shalt  }
0x86: {  	_ =	shalt  }
0x87: {  	_ =	shalt  }
.Lfunc_end0:
.L_simem_size_0:
called_computation.1_lowered:
.L_overlay_start_0:
0x88: {  	s2 =	sld [smem:$0x3FD9]  }
0x89: {  	s3 =	sld [smem:$0x3FFE];
	_ =	sdelay $0x1  }
0x8a: {  	s1 =	srdreg.scid  }
0x8b: {  	s0 =	sand.u32 $0x1, s1  }
0x8c: {  	s17 =	sshll.u32 s0, $0xA;
	s2 =	sadd.s32 s3, s2  }
0x8d: {  	s2 =	sadd.s32 s2, s17  }
0x8e: {  	[smem:$0x3FC6] =	sst s2  }
0x8f: {  	_ = 	snop  }
0x90: {  	s2 =	sld [smem:$0x3FC8]  }
0x91: {  	s18 =	sld [smem:$0x3FD0];
	(tm) =	ssettm $0x1  }
0x92: {  	s4 =	sld [smem:$0x3FFB];
	_ =	sdelay $0x3  }
0x93: {  	_ =	strace s4  }
0x94: {  	s4 =	sld [smem:$0x3FFC];
	_ =	sdelay $0x3  }
0x95: {  	_ =	strace s4  }
0x96: {  	s4 =	sld [smem:$0x3FFD];
	_ =	sdelay $0x3  }
0x97: {  	_ =	strace s4  }
0x98: {  	_ =	strace $0x8FFFFFFF  }
0x99: {  	s19 =	sld [smem:$0x3FDB];
	_ =	sdelay $0x1  }
0x9a: {  	s5 =	simm.s32 $_scs_section_size  }
0x9b: {  	s6 =	simm.s32 $_size__tile_overlayer_lowered;
	s7 =	simm.s32 $_tile_overlayer_lowered  }
0x9c: {  	s22 =	simm.s32 $0x1BFF;
	s21 =	sshll.u32 s7, $0x1;
	s4 =	sadd.s32 s5, s19  }
0x9d: {  	s8 =	simm.s32 $0x0;
	s20 =	sshll.u32 s6, $0x1;
	s6 =	sadd.s32 s21, s4  }
0x9e: {  	[timem:s8], [sflag:s22] =	dma.local [hbm:s6], s20  }
0x9f: {  	_ =	swait.ge [sflag:s22], s20  }
0xa0: {  	s5 =	ssub.s32 $0x0, s20;
	[sflag:s22] =	ssyncset.done $0x0  }
0xa1: {  	[sflag:s22] =	ssyncadd.s32 s5;
	_ =	sdelay $0x1  }
0xa2: {  	s23 =	simm.s32 $0x1B8B  }
0xa3: {  	_ =	swait.ge [sflag:s23], $0x1  }
0xa4: {  	[sflag:s23] =	ssyncset.done $0x0  }
0xa5: {  	s25 =	simm.s32 $0x1B8E;
	s24 =	sld [smem:$0x3FFE];
	[sflag:s23] =	ssyncadd.s32 $0xFFFFFFFF  }
0xa6: {  	s26 =	simm.s32 $execute0_lowered;
	[smem:$0x3FD2] =	sst s25  }
0xa7: {  	s6 =	sshll.u32 s26, $0x1;
	_ =	strace $0x80000046;
	[dreg:$0x1] =	wrdreg $0xFFFFFFFF  }
0xa8: {  	s28 =	simm.s32 $_size_execute0_lowered;
	s4 =	sadd.s32 s4, s6;
	[dreg:$0x0] =	wrdreg $0x0  }
0xa9: {  	s6 =	sshll.u32 s28, $0x1;
	[dreg:$0x2] =	wrdreg s4  }
0xaa: {  	[dreg:$0x3] =	wrdreg s6  }
0xab: {  	[dreg:$0x4] =	wrdreg $0xC0  }
0xac: {  	_ =	task [dreg:s8], $0x5FFFF  }
0xad: {  	[dreg:$0x1] =	wrdreg $0xFFFFFFFF  }
0xae: {  	[dreg:$0x0] =	wrdreg $0x60  }
0xaf: {  	[dreg:$0x2] =	wrdreg s2  }
0xb0: {  	[dreg:$0x3] =	wrdreg s18  }
0xb1: {  	[dreg:$0x4] =	wrdreg s24  }
0xb2: {  	[dreg:$0x5] =	wrdreg $0x9  }
0xb3: {  	_ =	task.clear_ibuf [dreg:s8], $0x6FFFF;
	_ =	strace $0x90000046  }
0xb4: {  	s29 =	simm.s32 $0x9;
	_ =	strace $0x80000048  }
0xb5: {  	_ =	swait.ge [sflag:s29], $0x1  }
0xb6: {  	[sflag:s29] =	ssyncadd.s32 $0xFFFFFFFF  }
0xb7: {  	_ =	strace $0x90000048  }
0xb8: {  	_ =	sfence  }
0xb9: {  	s30 =	sld [smem:$0x0];
	_ =	sdelay $0x2  }
0xba: {  	s31 =	sshll.u32 s1, $0xD;
	s1 =	sshrl.u32 s1, $0x2  }
0xbb: {  	s3 =	sand.u32 $0x4000, s31;
	s1 =	sadd.s32 s1, s30  }
0xbc: {  	s0 =	sor.u32 s3, s0;
	s1 =	sshll.u32 s1, $0x11  }
0xbd: {  	s0 =	sor.u32 s1, s0  }
0xbe: {  	s0 =	sadd.s32 $0x8F2B, s0  }
0xbf: {  	[sflag:s0] =	ssyncadd.remote.s32 $0x1  }
0xc0: {  	_ =	sfence.sel $0xFFFF  }
0xc1: {  	[dreg:$0x0] =	wrdreg $0xFFFFFFFF;
	(pc) =	sbr.abs _section_cstart, $3  }
0xc2: {  	[dreg:$0x1] =	wrdreg $0xFFFFFFFF  }
0xc3: {  	_ =	task.clear_ibuf [dreg:s8], $0x2FFFF;
	_ =	strace $0x9FFFFFFF  }
0xc4: {  	(tm) =	ssettm $0x7FFFFFFF  }
0xc5: {  	_ =	shalt  }
tec
execute0_lowered:
.L_overlay_start_1:
0x0: {  	(tag) =	ssettag $0x1  }
0x1: {  	s6 =	rddreg [dreg:$0x0]  }
0x2: {  	s1 =	rddreg [dreg:$0x1]  }
0x3: {  	s7 =	rddreg [dreg:$0x2];
	s3 =	simm.s32 $0x0;
	s0 =	stileid.u32  }
0x4: {  	s4 =	srdreg.scid;
	s14 =	simm.s32 $0x800;
	s15 =	simm.s32 $0x7A1400  }
0x5: {  	s16 =	simm.s32 $0x4000;
	s17 =	simm.s32 $0x1;
	s18 =	simm.s32 $0x8000  }
0x6: {  	s19 =	simm.s32 $0x2;
	s20 =	simm.s32 $0x4;
	s21 =	simm.s32 $0xC000  }
0x7: {  	s22 =	simm.s32 $0x3;
	s23 =	simm.s32 $0x0;
	[smem:$0x7FF] =	sst s3  }
0x8: {  	s8 =	sand.u32 $0x1, s4;
	s29 =	sshll.u32 s0, $0x1;
	s5 =	sshll.u32 s0, $0xC  }
0x9: {  	s31 =	sshll.u32 s0, $0x9;
	_ =	strace $0x80000047;
	s9 =	ssub.s32 $0x2, s8  }
0xa: {  	s4 =	sor.u32 s8, s29;
	s10 =	sadd.s32 s5, s7;
	s12 =	sshll.u32 s8, $0xB  }
0xb: {  	s8 =	sshll.u32 s8, $0x8;
	s30 =	sshrl.u32 s9, $0x1;
	s11 =	sshll.u32 s4, $0x8  }
.Ltmp0:
0xc: {  	s12 =	sadd.s32 s12, s10;
	s10 =	sor.u32 $0x40, s4;
	(pc) =	sbr.rel .LBB2_1-.Ltmp0, $4  }
0xd: {  	p0 =	sne.s32 s4, $0x1F;
	s5 =	sadd.s32 s6, s11;
	s11 =	sadd.s32 s31, s6  }
0xe: {  	s9 =	ssub.s32 s9, s30;
	s6 =	sadd.s32 $0x7A1E00, s7;
	s13 =	sadd.s32 s8, s11  }
0xf: {  	s7 =	smax.u32 s9, $0x1;
	s8 =	sadd.s32 $0xE00, s12;
	s11 =	sadd.s32 $0x10E00, s12  }
0x10: {  	s12 =	sor.u32 $0x20, s4;
	s9 =	sadd.s32 $0x4000, s13;
	s13 =	sadd.s32 $0x2000, s13  }
.LBB2_7:
0x11: {  	_ =	swait.ge [sflag:s22], $0x4000  }
0x12: {  	[sflag:s22] =	ssyncset.done $0x0  }
0x13: {  	[sflag:s22] =	ssyncadd.s32 $0xFFFFC000  }
0x14: {  	_ =	swait.ge [sflag:s20], $0x4000  }
0x15: {  	s0 =	simm.s32 @!p0 $0x0;
	[sflag:s20] =	ssyncset.done $0x0  }
0x16: {  	s2 =	simm.s32 @!p0 $0x8000;
	s24 =	simm.s32 @!p0 $0x5;
	[sflag:s20] =	ssyncadd.s32 $0xFFFFC000  }
0x17: {  	[tilespmem:s2], [sflag:$0x5] =	stream.linear.gather @!p0 [hbm4b:s1+s0], $0x1000, $0x38;
	[tilespmem:$0x10000] =	vst v63  }
0x18: {  	s23 =	sadd.s32 $0x1, s23;
	_ =	swait.ge @!p0 [sflag:s24], $0x1000  }
0x19: {  	p1 =	sne.s32 s23, s7;
	[sflag:s24] =	ssyncset.done @!p0 $0x0  }
.Ltmp1:
0x1a: {  	[sflag:s24] =	ssyncadd.s32 @!p0 $0xFFFFF000;
	(pc) =	sbr.rel @!p1 .LBB2_8-.Ltmp1, $4  }
0x1b: {  	[hbm4b:s6+s0] =	stream.linear.scatter @!p0 [tilespmem:s2], [sflag:$0x5], $0x1000, $0x38;
	[tilespmem:$0x10000] =	vst v63  }
0x1c: {  	_ =	swait.ge @!p0 [sflag:s24], $0x1000  }
0x1d: {  	[sflag:s24] =	ssyncset.done @!p0 $0x0  }
0x1e: {  	[sflag:s24] =	ssyncadd.s32 @!p0 $0xFFFFF000  }
.LBB2_1:
.Ltmp2:
0x1f: {  	(pc) =	sbr.rel .LBB2_2-.Ltmp2, $4  }
0x20: {  	_ = 	snop  }
0x21: {  	[tilespmem:s3], [sflag:$0x1] =	stream.strided.gather [hbm4b:s5+s14], $0x4000, s15, s14, $0x38;
	[tilespmem:$0x10000] =	vst v63  }
0x22: {  	s24 =	smov.u32 s13;
	s25 =	smov.u32 s12;
	s26 =	smov.u32 s10  }
0x23: {  	s28 =	smov.u32 s9;
	s29 =	smov.u32 s4;
	s30 =	simm.s32 $0x0  }
.LBB2_3:
0x24: {  	_ =	swait.ge [sflag:s19], $0x4000  }
0x25: {  	[sflag:s19] =	ssyncset.done $0x0  }
0x26: {  	[sflag:s19] =	ssyncadd.s32 $0xFFFFC000  }
.LBB2_5:
0x27: {  	_ =	swait.ge [sflag:s20], $0x4000  }
0x28: {  	[sflag:s20] =	ssyncset.done $0x0  }
0x29: {  	[sflag:s20] =	ssyncadd.s32 $0xFFFFC000  }
.LBB2_6:
0x2a: {  	s0 =	smul.u32 $0x7A1000, s31;
	_ =	sdelay $0x1  }
0x2b: {  	s0 =	ssub.s32 s11, s0  }
0x2c: {  	s0 =	sadd.s32 s0, s30;
	s30 =	sadd.s32 $0x20000, s30  }
0x2d: {  	p1 =	sne.s32 s30, $0x7C0000  }
.Ltmp3:
0x2e: {  	_ = 	snop;
	(pc) =	sbr.rel @!p1 .LBB2_7-.Ltmp3, $4  }
0x2f: {  	_ = 	snop  }
0x30: {  	s29 =	sadd.s32 $0x40, s29;
	s28 =	sadd.s32 $0x4000, s28  }
0x31: {  	s26 =	sadd.s32 $0x40, s26;
	s25 =	sadd.s32 $0x40, s25;
	s24 =	sadd.s32 $0x4000, s24  }
0x32: {  	[hbm4b:s0+s3] =	stream.linear.scatter [tilespmem:s21], [sflag:$0x4], $0x4000, $0x38;
	[tilespmem:$0x10000] =	vst v63  }
.LBB2_2:
0x33: {  	s31 =	sshrl.u32 s25, $0x1  }
0x34: {  	s31 =	smulhi.u32 $0x8639F003, s31;
	_ =	sdelay $0x1  }
0x35: {  	s31 =	sshrl.u32 s31, $0xA  }
0x36: {  	s0 =	smul.u32 $0xF4200, s31  }
0x37: {  	s2 =	sshrl.u32 s29, $0x1  }
0x38: {  	s2 =	smulhi.u32 $0x8639F003, s2;
	s0 =	ssub.s32 s24, s0  }
0x39: {  	[tilespmem:s16], [sflag:$0x2] =	stream.strided.gather [hbm4b:s0+s14], $0x4000, s15, s14, $0x38;
	[tilespmem:$0x10000] =	vst v63  }
0x3a: {  	p1 =	seq.s32 s30, $0x0;
	s2 =	sshrl.u32 s2, $0xA;
	_ =	swait.ge [sflag:s17], $0x4000  }
0x3b: {  	p2 =	sne.s32 s30, $0x7A0000;
	s0 =	smul.u32 $0x7A1000, s2;
	[sflag:s17] =	ssyncset.done $0x0  }
.Ltmp4:
0x3c: {  	s2 =	simm.s32 @!p1 $0x3;
	[sflag:s17] =	ssyncadd.s32 $0xFFFFC000;
	(pc) =	sbr.rel @!p2 .LBB2_3-.Ltmp4, $4  }
0x3d: {  	_ =	swait.ge @!p1 [sflag:s2], $0x4000  }
0x3e: {  	s0 =	ssub.s32 s8, s0;
	[sflag:s2] =	ssyncset.done @!p1 $0x0  }
0x3f: {  	s0 =	sadd.s32 s0, s30;
	[sflag:s2] =	ssyncadd.s32 @!p1 $0xFFFFC000  }
0x40: {  	[hbm4b:s0+s3] =	stream.linear.scatter [tilespmem:s18], [sflag:$0x3], $0x4000, $0x38;
	[tilespmem:$0x10000] =	vst v63  }
0x41: {  	s0 =	sshrl.u32 s26, $0x1  }
0x42: {  	s0 =	smulhi.u32 $0x8639F003, s0;
	_ =	sdelay $0x1  }
0x43: {  	s0 =	sshrl.u32 s0, $0xA  }
0x44: {  	s0 =	smul.u32 $0xF4200, s0;
	_ =	sdelay $0x1  }
0x45: {  	s0 =	ssub.s32 s28, s0  }
0x46: {  	[tilespmem:s3], [sflag:$0x1] =	stream.strided.gather [hbm4b:s0+s14], $0x4000, s15, s14, $0x38;
	[tilespmem:$0x10000] =	vst v63  }
.Ltmp5:
0x47: {  	_ = 	snop;
	(pc) =	sbr.rel @!p1 .LBB2_5-.Ltmp5, $4  }
.Ltmp6:
0x48: {  	_ = 	snop;
	(pc) =	sbr.rel @p1 .LBB2_6-.Ltmp6, $4  }
0x49: {  	_ =	swait.ge [sflag:s19], $0x4000  }
0x4a: {  	[sflag:s19] =	ssyncset.done $0x0  }
0x4b: {  	[sflag:s19] =	ssyncadd.s32 $0xFFFFC000  }
0x4c: {  	_ = 	snop  }
.LBB2_8:
0x4d: {  	_ =	sfence.sel $0x180000  }
0x4e: {  	[bflag:$0x0] =	sbarrier.arrive $0xFFFF  }
0x4f: {  	_ =	strace $0x90000047  }
0x50: {  	s0 =	stileid.u32;
	[bflag:$0x2] =	sbarrier.arrive $0xFFFF  }
0x51: {  	p0 =	sne.s32 s0, $0x0;
	s0 =	rddreg [dreg:$0x3]  }
0x52: {  	s0 =	sadd.s32 @!p0 $0x100000, s0  }
0x53: {  	[sflag:s0] =	ssyncadd.tile.s32 @!p0 $0x1;
	_ =	shalt  }
.Lfunc_end2:
_tile_overlayer_lowered:
.L_overlay_start_2:
0x54: {  	(tag) =	ssettag $0x2  }
0x55: {  	s0 =	rddreg [dreg:$0x0];
	s2 =	stileid.u32  }
0x56: {  	s1 =	rddreg [dreg:$0x1];
	p0 =	sne.s32 s2, $0x0  }
0x57: {  	s3 =	rddreg [dreg:$0x2];
	[bflag:$0x3] =	sbarrier.arrive $0xFFFF;
	s2 =	simm.s32 @!p0 $0x1C05  }
0x58: {  	[timem:s3], [sflag:s2] =	dma.local @!p0 [hbm:s0], s1  }
0x59: {  	s0 =	simm.s32 @!p0 $0x5  }
0x5a: {  	_ =	swait.ge @!p0 [sflag:s0], s1  }
0x5b: {  	s1 =	ssub.s32 @!p0 $0x0, s1;
	[sflag:s0] =	ssyncset.done @!p0 $0x0  }
0x5c: {  	[sflag:s0] =	ssyncadd.s32 @!p0 s1  }
0x5d: {  	[bflag:$0x3] =	sbarrier.arrive $0xFFFF  }
0x5e: {  	_ =	shalt  }

// kernel: kernel.7.cloned.1.call-start
scs
__scs_entry_jumppad:
0x0: {  	(pc) =	sbr.rel $0x88, $3  }
0x1: {  	(tag) =	ssettag $0x0;
	lr =	simm.s32 $0x1  }
0x2: {  	[smem:$0x3F9F] =	sst lr;
	_ =	strace $0xD0000000  }
0x3: {  	_ = 	snop  }
0x4: {  	_ = 	snop  }
0x5: {  	_ = 	snop  }
0x6: {  	_ = 	snop  }
0x7: {  	_ = 	snop  }
__scs_overlays_trampoline_lowered:
0x8: {  	[smem:$0x3FAE] =	sst s0  }
0x9: {  	[smem:$0x3FAF] =	sst s1  }
0xa: {  	[smem:$0x3FB0] =	sst s2  }
0xb: {  	[smem:$0x3FB1] =	sst s3  }
0xc: {  	[smem:$0x3FB2] =	sst s4  }
0xd: {  	[smem:$0x3FB3] =	sst s5  }
0xe: {  	[smem:$0x3FB4] =	sst s6  }
0xf: {  	[smem:$0x3FB5] =	sst s7  }
0x10: {  	[smem:$0x3FB6] =	sst s8  }
0x11: {  	[smem:$0x3FB7] =	sst s9;
	s0 =	simm.s32 @!p0 $0x0  }
0x12: {  	s1 =	sld [smem:$0x3F9D];
	s0 =	simm.s32 @p0 $0x1  }
0x13: {  	[smem:$0x3FB8] =	sst s0;
	s0 =	simm.s32 @!p1 $0x0  }
0x14: {  	s2 =	sld [smem:$0x3F9C];
	s0 =	simm.s32 @p1 $0x1  }
0x15: {  	[smem:$0x3FB9] =	sst s0;
	s0 =	simm.s32 @!p2 $0x0  }
0x16: {  	s3 =	sld [smem:$0x3FDB];
	s0 =	simm.s32 @p2 $0x1  }
0x17: {  	s4 =	simm.s32 $0x1BF5;
	[smem:$0x3FBB] =	sst s0  }
0x18: {  	s0 =	sld [smem:$0x3F9E];
	_ =	swait.ge [sflag:s4], $0x0  }
0x19: {  	s7 =	sld [smem:$0x3F9F]  }
0x1a: {  	s8 =	sadd.s32 $0xFFFFE003, lr  }
0x1b: {  	s9 =	sadd.s32 $0xFFFFFEF7, lr;
	s5 =	simm.s32 $0xFFFFFFFF;
	p2 =	slt.u32 s8, $0xFFFFF086  }
0x1c: {  	p1 =	slt.u32 s9, $0xF7A;
	s5 =	simm.s32 @!p2 $0x0  }
0x1d: {  	s5 =	simm.s32 @p1 $0x1;
	p0 =	seq.s32 s7, s2  }
0x1e: {  	s7 =	smul.u32 @!p0 $0xF7A, s2;
	p2 =	seq.s32 @!p0 s5, $0x0  }
0x1f: {  	s9 =	smul.u32 $0xF7A, s1;
	s8 =	simm.s32 @!p0 $0x1BF5;
	p2 =	por !p2, p0  }
0x20: {  	[sflag:s8] =	ssyncset.s32 @!p0 $0xFFFFF086;
	s6 =	sadd.s32 @!p0 s3, s7;
	s7 =	simm.s32 @!p0 $0x108  }
0x21: {  	s3 =	sadd.s32 s3, s9;
	s6 =	sadd.s32 @!p0 $0x88, s6;
	s7 =	simm.s32 @p2 $0x1082  }
0x22: {  	[simem:s7], [sflag:s8] =	dma.local @!p0 [hbm:s6], $0xF7A  }
0x23: {  	s9 =	sor.u32 $0xD0000000, s2;
	s6 =	simm.s32 $0x108;
	_ =	swait.ge @!p0 [sflag:s8], $0x0  }
0x24: {  	s3 =	sadd.s32 $0x88, s3;
	s6 =	simm.s32 @!p1 $0x1082;
	[sflag:s4] =	ssyncset.s32 $0xFFFFF086  }
0x25: {  	[simem:s6], [sflag:s4] =	dma.local [hbm:s3], $0xF7A  }
0x26: {  	[smem:$0x3F9F] =	sst s1;
	(tag) =	ssettag s2;
	_ =	strace s9  }
0x27: {  	s1 =	sld [smem:$0x3FAF]  }
0x28: {  	s2 =	sld [smem:$0x3FB0]  }
0x29: {  	s4 =	sld [smem:$0x3FB2]  }
0x2a: {  	p0 =	seq.s32 s5, $0x0;
	s5 =	sld [smem:$0x3FB3]  }
0x2b: {  	s6 =	sld [smem:$0x3FB4]  }
0x2c: {  	s7 =	sld [smem:$0x3FB5]  }
0x2d: {  	s3 =	simm.s32 $0x108;
	s8 =	sld [smem:$0x3FB6]  }
0x2e: {  	s3 =	simm.s32 @!p0 $0x1082;
	s9 =	sld [smem:$0x3FB7]  }
0x2f: {  	lr =	sadd.s32 s0, s3;
	s0 =	sld [smem:$0x3FAE]  }
0x30: {  	s3 =	sld [smem:$0x3FB1]  }
0x31: {  	[smem:$0x3FBA] =	sst s10  }
0x32: {  	s10 =	sld [smem:$0x3FB8];
	_ =	sdelay $0x3  }
0x33: {  	p0 =	seq.s32 s10, $0x1;
	s10 =	sld [smem:$0x3FBA];
	_ =	sdelay $0x3  }
0x34: {  	[smem:$0x3FBA] =	sst s10  }
0x35: {  	s10 =	sld [smem:$0x3FB9];
	_ =	sdelay $0x3  }
0x36: {  	p1 =	seq.s32 s10, $0x1;
	s10 =	sld [smem:$0x3FBA];
	_ =	sdelay $0x3  }
0x37: {  	[smem:$0x3FBA] =	sst s10  }
0x38: {  	s10 =	sld [smem:$0x3FBB]  }
0x39: {  	_ = 	snop;
	(pc) =	sbr.ind lr, $3  }
0x3a: {  	_ = 	snop  }
0x3b: {  	_ = 	snop  }
0x3c: {  	p2 =	seq.s32 s10, $0x1;
	s10 =	sld [smem:$0x3FBA]  }
0x3d: {  	_ =	shalt  }
0x3e: {  	_ =	shalt  }
0x3f: {  	_ =	shalt  }
0x40: {  	_ =	shalt  }
0x41: {  	_ =	shalt  }
0x42: {  	_ =	shalt  }
0x43: {  	_ =	shalt  }
0x44: {  	_ =	shalt  }
0x45: {  	_ =	shalt  }
0x46: {  	_ =	shalt  }
0x47: {  	_ =	shalt  }
0x48: {  	_ =	shalt  }
0x49: {  	_ =	shalt  }
0x4a: {  	_ =	shalt  }
0x4b: {  	_ =	shalt  }
0x4c: {  	_ =	shalt  }
0x4d: {  	_ =	shalt  }
0x4e: {  	_ =	shalt  }
0x4f: {  	_ =	shalt  }
0x50: {  	_ =	shalt  }
0x51: {  	_ =	shalt  }
0x52: {  	_ =	shalt  }
0x53: {  	_ =	shalt  }
0x54: {  	_ =	shalt  }
0x55: {  	_ =	shalt  }
0x56: {  	_ =	shalt  }
0x57: {  	_ =	shalt  }
0x58: {  	_ =	shalt  }
0x59: {  	_ =	shalt  }
0x5a: {  	_ =	shalt  }
0x5b: {  	_ =	shalt  }
0x5c: {  	_ =	shalt  }
0x5d: {  	_ =	shalt  }
0x5e: {  	_ =	shalt  }
0x5f: {  	_ =	shalt  }
0x60: {  	_ =	shalt  }
0x61: {  	_ =	shalt  }
0x62: {  	_ =	shalt  }
0x63: {  	_ =	shalt  }
0x64: {  	_ =	shalt  }
0x65: {  	_ =	shalt  }
0x66: {  	_ =	shalt  }
0x67: {  	_ =	shalt  }
0x68: {  	_ =	shalt  }
0x69: {  	_ =	shalt  }
0x6a: {  	_ =	shalt  }
0x6b: {  	_ =	shalt  }
0x6c: {  	_ =	shalt  }
0x6d: {  	_ =	shalt  }
0x6e: {  	_ =	shalt  }
0x6f: {  	_ =	shalt  }
0x70: {  	_ =	shalt  }
0x71: {  	_ =	shalt  }
0x72: {  	_ =	shalt  }
0x73: {  	_ =	shalt  }
0x74: {  	_ =	shalt  }
0x75: {  	_ =	shalt  }
0x76: {  	_ =	shalt  }
0x77: {  	_ =	shalt  }
0x78: {  	_ =	shalt  }
0x79: {  	_ =	shalt  }
0x7a: {  	_ =	shalt  }
0x7b: {  	_ =	shalt  }
0x7c: {  	_ =	shalt  }
0x7d: {  	_ =	shalt  }
0x7e: {  	_ =	shalt  }
0x7f: {  	_ =	shalt  }
0x80: {  	_ =	shalt  }
0x81: {  	_ =	shalt  }
0x82: {  	_ =	shalt  }
0x83: {  	_ =	shalt  }
0x84: {  	_ =	shalt  }
0x85: {  	_ =	shalt  }
0x86: {  	_ =	shalt  }
0x87: {  	_ =	shalt  }
.Lfunc_end0:
.L_simem_size_0:
called_computation.2_lowered:
.L_overlay_start_0:
0x88: {  	s2 =	sld [smem:$0x3FD9]  }
0x89: {  	s3 =	sld [smem:$0x3FFE];
	_ =	sdelay $0x1  }
0x8a: {  	s1 =	srdreg.scid  }
0x8b: {  	s0 =	sand.u32 $0x1, s1  }
0x8c: {  	s17 =	sshll.u32 s0, $0xA;
	s2 =	sadd.s32 s3, s2  }
0x8d: {  	s2 =	sadd.s32 s2, s17  }
0x8e: {  	[smem:$0x3FC6] =	sst s2  }
0x8f: {  	_ = 	snop  }
0x90: {  	s2 =	sld [smem:$0x3FD0];
	(tm) =	ssettm $0x1  }
0x91: {  	s18 =	sld [smem:$0x3FFB];
	_ =	sdelay $0x3  }
0x92: {  	_ =	strace s18  }
0x93: {  	s3 =	sld [smem:$0x3FFC];
	_ =	sdelay $0x3  }
0x94: {  	_ =	strace s3  }
0x95: {  	s3 =	sld [smem:$0x3FFD];
	_ =	sdelay $0x3  }
0x96: {  	_ =	strace s3  }
0x97: {  	_ =	strace $0x8FFFFFFF  }
0x98: {  	s19 =	sld [smem:$0x3FDB];
	_ =	sdelay $0x1  }
0x99: {  	s4 =	simm.s32 $_scs_section_size  }
0x9a: {  	s5 =	simm.s32 $_size__tile_overlayer_lowered;
	s6 =	simm.s32 $_tile_overlayer_lowered  }
0x9b: {  	s22 =	simm.s32 $0x1BFF;
	s21 =	sshll.u32 s6, $0x1;
	s3 =	sadd.s32 s4, s19  }
0x9c: {  	s7 =	simm.s32 $0x0;
	s20 =	sshll.u32 s5, $0x1;
	s5 =	sadd.s32 s21, s3  }
0x9d: {  	[timem:s7], [sflag:s22] =	dma.local [hbm:s5], s20  }
0x9e: {  	_ =	swait.ge [sflag:s22], s20  }
0x9f: {  	s4 =	ssub.s32 $0x0, s20;
	[sflag:s22] =	ssyncset.done $0x0  }
0xa0: {  	[sflag:s22] =	ssyncadd.s32 s4;
	_ =	sdelay $0x1  }
0xa1: {  	s23 =	simm.s32 $0x1B8B  }
0xa2: {  	_ =	swait.ge [sflag:s23], $0x1  }
0xa3: {  	[sflag:s23] =	ssyncset.done $0x0  }
0xa4: {  	s25 =	simm.s32 $0x1B8E;
	s24 =	sld [smem:$0x3FFE];
	[sflag:s23] =	ssyncadd.s32 $0xFFFFFFFF  }
0xa5: {  	s26 =	simm.s32 $execute0_lowered;
	[smem:$0x3FD2] =	sst s25  }
0xa6: {  	s5 =	sshll.u32 s26, $0x1;
	_ =	strace $0x80000049;
	[dreg:$0x1] =	wrdreg $0xFFFFFFFF  }
0xa7: {  	s28 =	simm.s32 $_size_execute0_lowered;
	s3 =	sadd.s32 s3, s5;
	[dreg:$0x0] =	wrdreg $0x0  }
0xa8: {  	s5 =	sshll.u32 s28, $0x1;
	[dreg:$0x2] =	wrdreg s3  }
0xa9: {  	[dreg:$0x3] =	wrdreg s5  }
0xaa: {  	[dreg:$0x4] =	wrdreg $0xC0  }
0xab: {  	_ =	task [dreg:s7], $0x5FFFF  }
0xac: {  	[dreg:$0x1] =	wrdreg $0xFFFFFFFF  }
0xad: {  	[dreg:$0x0] =	wrdreg $0x60  }
0xae: {  	[dreg:$0x2] =	wrdreg s24  }
0xaf: {  	[dreg:$0x3] =	wrdreg s2  }
0xb0: {  	[dreg:$0x4] =	wrdreg $0x9  }
0xb1: {  	_ =	task.clear_ibuf [dreg:s7], $0x5FFFF;
	_ =	strace $0x90000049  }
0xb2: {  	s29 =	simm.s32 $0x9;
	_ =	strace $0x8000004B  }
0xb3: {  	_ =	swait.ge [sflag:s29], $0x1  }
0xb4: {  	[sflag:s29] =	ssyncadd.s32 $0xFFFFFFFF  }
0xb5: {  	_ =	strace $0x9000004B  }
0xb6: {  	_ =	sfence  }
0xb7: {  	s30 =	sld [smem:$0x0];
	_ =	sdelay $0x2  }
0xb8: {  	s31 =	sshll.u32 s1, $0xD;
	s1 =	sshrl.u32 s1, $0x2  }
0xb9: {  	s3 =	sand.u32 $0x4000, s31;
	s1 =	sadd.s32 s1, s30  }
0xba: {  	s0 =	sor.u32 s3, s0;
	s1 =	sshll.u32 s1, $0x11  }
0xbb: {  	s0 =	sor.u32 s1, s0  }
0xbc: {  	s0 =	sadd.s32 $0x8F2B, s0  }
0xbd: {  	[sflag:s0] =	ssyncadd.remote.s32 $0x1  }
0xbe: {  	_ =	sfence.sel $0xFFFF  }
0xbf: {  	[dreg:$0x0] =	wrdreg $0xFFFFFFFF;
	(pc) =	sbr.abs _section_cstart, $3  }
0xc0: {  	[dreg:$0x1] =	wrdreg $0xFFFFFFFF  }
0xc1: {  	_ =	task.clear_ibuf [dreg:s7], $0x2FFFF;
	_ =	strace $0x9FFFFFFF  }
0xc2: {  	(tm) =	ssettm $0x7FFFFFFF  }
0xc3: {  	_ =	shalt  }
tec
execute0_lowered:
.L_overlay_start_1:
0x0: {  	(tag) =	ssettag $0x1  }
0x1: {  	s5 =	rddreg [dreg:$0x0]  }
0x2: {  	s2 =	rddreg [dreg:$0x1];
	s3 =	srdreg.scid  }
0x3: {  	s0 =	rddreg [dreg:$0x2];
	s1 =	stileid.u32;
	s9 =	simm.s32 $0x1000  }
0x4: {  	s10 =	simm.s32 $0x2;
	s11 =	simm.s32 $0x1900;
	s12 =	simm.s32 $0x1980  }
0x5: {  	v0 =	vlaneseq.u32;
	s13 =	simm.s32 $0x1;
	s14 =	simm.s32 $0x0;
	s6 =	sand.u32 $0x1, s3  }
0x6: {  	s3 =	simm.s32 $0x0;
	s4 =	sshll.u32 s1, $0x8;
	v0 =	vmul.u32 $0x2, v0;
	s7 =	sshll.u32 s6, $0x7  }
0x7: {  	[smem:$0x7FF] =	sst s3;
	s6 =	ssub.s32 $0x2, s6;
	s4 =	sor.u32 s7, s4  }
0x8: {  	_ =	strace $0x8000004A;
	s8 =	sshrl.u32 s6, $0x1;
	v1 =	vor.u32 $0x1, v0;
	s7 =	sshrl.u32 s4, $0x3  }
0x9: {  	v2 =	vor.u32 $0x20, v0;
	v3 =	vor.u32 $0x21, v0;
	v4 =	vor.u32 $0x40, v0;
	s8 =	ssub.s32 s6, s8;
	s7 =	sadd.s32 s7, s5;
	s5 =	sadd.s32 $0xE00, s5  }
0xa: {  	v5 =	vor.u32 $0x41, v0;
	v6 =	vor.u32 $0x60, v0;
	v7 =	vor.u32 $0x61, v0;
	s6 =	sadd.s32 $0x7A2000, s7;
	s7 =	smax.u32 s8, $0x1;
	s8 =	simm.s32 $0x80  }
.LBB2_1:
0xb: {  	[tilespmem:s3], [sflag:$0x2] =	stream.strided.gather [hbm4b:s6+s8], $0x1900, s9, s8, $0x38;
	[tilespmem:$0x2980] =	vst v63  }
0xc: {  	s15 =	simm.s32 $0x0;
	_ =	swait.ge [sflag:s10], $0x1900  }
0xd: {  	s16 =	sand.u32 $0x40, s3;
	s15 =	sand.u32 $0x3FFFFF80, s15;
	[sflag:s10] =	ssyncset.done $0x0  }
0xe: {  	s15 =	sor.u32 s16, s15;
	[sflag:s10] =	ssyncadd.s32 $0xFFFFE700  }
0xf: {  	v8 =	vld [tilespmem:s15+$0x0];
	_ =	sdelay $0x4  }
0x10: {  	v8 =	vshll.u32 v8, $0x1  }
0x11: {  	[tilespmem:v0+s11+$0x0] =	vst.idx.msk $0xffff, v8;
	v8 =	vor.u32 $0x1, v8  }
0x12: {  	[tilespmem:v1+s11+$0x0] =	vst.idx.msk $0xffff, v8  }
0x13: {  	v8 =	vld [tilespmem:s15+$0x10];
	_ =	sdelay $0x4  }
0x14: {  	v8 =	vshll.u32 v8, $0x1  }
0x15: {  	[tilespmem:v2+s11+$0x0] =	vst.idx.msk $0xffff, v8;
	v8 =	vor.u32 $0x1, v8  }
0x16: {  	[tilespmem:v3+s11+$0x0] =	vst.idx.msk $0xffff, v8  }
0x17: {  	v8 =	vld [tilespmem:s15+$0x20];
	_ =	sdelay $0x4  }
0x18: {  	v8 =	vshll.u32 v8, $0x1  }
0x19: {  	[tilespmem:v4+s11+$0x0] =	vst.idx.msk $0xffff, v8;
	v8 =	vor.u32 $0x1, v8  }
0x1a: {  	[tilespmem:v5+s11+$0x0] =	vst.idx.msk $0xffff, v8  }
0x1b: {  	v8 =	vld [tilespmem:s15+$0x30];
	_ =	sdelay $0x3  }
0x1c: {  	s30 =	simm.s32 $0x0  }
0x1d: {  	s15 =	sand.u32 $0xFFFFF000, s30;
	v8 =	vshll.u32 v8, $0x1  }
0x1e: {  	s15 =	sor.u32 s4, s15;
	[tilespmem:v6+s11+$0x0] =	vst.idx.msk $0xffff, v8;
	v8 =	vor.u32 $0x1, v8  }
0x1f: {  	s19 =	simm.s32 $0x2;
	s15 =	sor.u32 s16, s15;
	[tilespmem:v7+s11+$0x0] =	vst.idx.msk $0xffff, v8  }
0x20: {  	[tilespmem:s12], [sflag:$0x1] =	stream.indirect.gather [hbm4b:s5+s8], $0x20, s11, s8, $0xb8;
	[tilespmem:$0x2980] =	vst v63  }
0x21: {  	s17 =	simm.s32 $0x40;
	s15 =	sshll.u32 s15, $0x3;
	_ =	swait.ge [sflag:s13], $0x1000  }
0x22: {  	s18 =	simm.s32 $0x40;
	s31 =	sand.u32 $0x1FFFFE00, s15;
	[sflag:s13] =	ssyncset.done $0x0  }
0x23: {  	s20 =	sand.u32 $0x3FFFFF80, s18;
	s16 =	sadd.s32 s2, s31;
	[sflag:s13] =	ssyncadd.s32 $0xFFFFF000  }
0x24: {  	[hbm4b:s16+s3] =	stream.linear.scatter [tilespmem:s12], [sflag:$0x2], $0x1000, $0x38;
	[tilespmem:$0x2980] =	vst v63  }
0x25: {  	s15 =	simm.s32 $0x1;
	s16 =	sand.u32 $0x40, s17;
	_ =	swait.ge [sflag:s10], $0x1000  }
.LBB2_2:
0x26: {  	s20 =	sor.u32 s16, s20  }
0x27: {  	[sflag:s10] =	ssyncset.done $0x0;
	s21 =	smov.u32 s19;
	s18 =	sadd.s32 $0x1, s19  }
0x28: {  	p0 =	sne.s32 s19, $0x63;
	[sflag:s10] =	ssyncadd.s32 $0xFFFFF000  }
0x29: {  	v8 =	vld [tilespmem:s20+$0x0];
	_ =	sdelay $0x4  }
0x2a: {  	v8 =	vshll.u32 v8, $0x1  }
0x2b: {  	[tilespmem:v0+s11+$0x0] =	vst.idx.msk $0xffff, v8;
	v8 =	vor.u32 $0x1, v8  }
0x2c: {  	[tilespmem:v1+s11+$0x0] =	vst.idx.msk $0xffff, v8  }
0x2d: {  	v8 =	vld [tilespmem:s20+$0x10];
	_ =	sdelay $0x4  }
0x2e: {  	v8 =	vshll.u32 v8, $0x1  }
0x2f: {  	[tilespmem:v2+s11+$0x0] =	vst.idx.msk $0xffff, v8;
	v8 =	vor.u32 $0x1, v8  }
0x30: {  	[tilespmem:v3+s11+$0x0] =	vst.idx.msk $0xffff, v8  }
0x31: {  	v8 =	vld [tilespmem:s20+$0x20];
	_ =	sdelay $0x4  }
0x32: {  	v8 =	vshll.u32 v8, $0x1  }
0x33: {  	[tilespmem:v4+s11+$0x0] =	vst.idx.msk $0xffff, v8;
	v8 =	vor.u32 $0x1, v8  }
0x34: {  	[tilespmem:v5+s11+$0x0] =	vst.idx.msk $0xffff, v8  }
0x35: {  	v8 =	vld [tilespmem:s20+$0x30];
	_ =	sdelay $0x3  }
0x36: {  	s19 =	sshll.u32 s15, $0xB;
	s15 =	smov.u32 s21  }
0x37: {  	s19 =	sand.u32 $0xFFFFF000, s19;
	v8 =	vshll.u32 v8, $0x1  }
0x38: {  	s19 =	sor.u32 s4, s19;
	[tilespmem:v6+s11+$0x0] =	vst.idx.msk $0xffff, v8;
	v8 =	vor.u32 $0x1, v8  }
0x39: {  	s17 =	sadd.s32 $0x40, s17;
	s16 =	sor.u32 s16, s19;
	[tilespmem:v7+s11+$0x0] =	vst.idx.msk $0xffff, v8  }
0x3a: {  	[tilespmem:s12], [sflag:$0x1] =	stream.indirect.gather [hbm4b:s5+s8], $0x20, s11, s8, $0xb8;
	[tilespmem:$0x2980] =	vst v63  }
.Ltmp0:
0x3b: {  	s16 =	sshll.u32 s16, $0x3;
	_ =	swait.ge [sflag:s13], $0x1000;
	(pc) =	sbr.rel @p0 .LBB2_2-.Ltmp0, $4  }
0x3c: {  	s19 =	sshll.u32 s15, $0x6;
	s16 =	sand.u32 $0x1FFFFE00, s16;
	[sflag:s13] =	ssyncset.done $0x0  }
0x3d: {  	s16 =	sadd.s32 s2, s16;
	s20 =	sand.u32 $0x3FFFFF80, s19;
	[sflag:s13] =	ssyncadd.s32 $0xFFFFF000  }
0x3e: {  	[hbm4b:s16+s3] =	stream.linear.scatter [tilespmem:s12], [sflag:$0x2], $0x1000, $0x38;
	[tilespmem:$0x2980] =	vst v63  }
0x3f: {  	s19 =	smov.u32 s18;
	s16 =	sand.u32 $0x40, s17;
	_ =	swait.ge [sflag:s10], $0x1000  }
0x40: {  	[sflag:s10] =	ssyncset.done $0x0  }
0x41: {  	s17 =	sor.u32 s16, s20;
	[sflag:s10] =	ssyncadd.s32 $0xFFFFF000  }
0x42: {  	v8 =	vld [tilespmem:s17+$0x0];
	_ =	sdelay $0x4  }
0x43: {  	v8 =	vshll.u32 v8, $0x1  }
0x44: {  	[tilespmem:v0+s11+$0x0] =	vst.idx.msk $0xffff, v8;
	v8 =	vor.u32 $0x1, v8  }
0x45: {  	[tilespmem:v1+s11+$0x0] =	vst.idx.msk $0xffff, v8  }
0x46: {  	v8 =	vld [tilespmem:s17+$0x10];
	_ =	sdelay $0x4  }
0x47: {  	v8 =	vshll.u32 v8, $0x1  }
0x48: {  	[tilespmem:v2+s11+$0x0] =	vst.idx.msk $0xffff, v8;
	v8 =	vor.u32 $0x1, v8  }
0x49: {  	[tilespmem:v3+s11+$0x0] =	vst.idx.msk $0xffff, v8  }
0x4a: {  	v8 =	vld [tilespmem:s17+$0x20];
	_ =	sdelay $0x4  }
0x4b: {  	v8 =	vshll.u32 v8, $0x1  }
0x4c: {  	[tilespmem:v4+s11+$0x0] =	vst.idx.msk $0xffff, v8;
	v8 =	vor.u32 $0x1, v8  }
0x4d: {  	[tilespmem:v5+s11+$0x0] =	vst.idx.msk $0xffff, v8  }
0x4e: {  	v8 =	vld [tilespmem:s17+$0x30];
	_ =	sdelay $0x3  }
0x4f: {  	s15 =	sshll.u32 s15, $0xB  }
0x50: {  	s15 =	sand.u32 $0xFFFFF000, s15;
	v8 =	vshll.u32 v8, $0x1  }
0x51: {  	s15 =	sor.u32 s4, s15;
	[tilespmem:v6+s11+$0x0] =	vst.idx.msk $0xffff, v8;
	v8 =	vor.u32 $0x1, v8  }
0x52: {  	s15 =	sor.u32 s16, s15;
	[tilespmem:v7+s11+$0x0] =	vst.idx.msk $0xffff, v8  }
0x53: {  	[tilespmem:s12], [sflag:$0x1] =	stream.indirect.gather [hbm4b:s5+s8], $0x20, s11, s8, $0xb8;
	[tilespmem:$0x2980] =	vst v63  }
0x54: {  	s14 =	sadd.s32 $0x1, s14;
	s15 =	sshll.u32 s15, $0x3;
	_ =	swait.ge [sflag:s13], $0x1000  }
0x55: {  	p0 =	sne.s32 s14, s7;
	s15 =	sand.u32 $0x1FFFFE00, s15;
	[sflag:s13] =	ssyncset.done $0x0  }
.Ltmp1:
0x56: {  	s15 =	sadd.s32 s2, s15;
	[sflag:s13] =	ssyncadd.s32 $0xFFFFF000;
	(pc) =	sbr.rel @p0 .LBB2_1-.Ltmp1, $4  }
0x57: {  	[hbm4b:s15+s3] =	stream.linear.scatter [tilespmem:s12], [sflag:$0x2], $0x1000, $0x38;
	[tilespmem:$0x2980] =	vst v63  }
0x58: {  	_ =	swait.ge [sflag:s10], $0x1000  }
0x59: {  	[sflag:s10] =	ssyncset.done $0x0  }
0x5a: {  	[sflag:s10] =	ssyncadd.s32 $0xFFFFF000  }
0x5b: {  	_ =	sfence.sel $0x180000  }
0x5c: {  	[bflag:$0x0] =	sbarrier.arrive $0xFFFF  }
0x5d: {  	p0 =	sne.s32 s1, $0x0;
	_ =	strace $0x9000004A  }
0x5e: {  	s0 =	sadd.s32 @!p0 $0x100000, s0;
	[bflag:$0x2] =	sbarrier.arrive $0xFFFF  }
0x5f: {  	[sflag:s0] =	ssyncadd.tile.s32 @!p0 $0x1;
	_ =	shalt  }
.Lfunc_end2:
_tile_overlayer_lowered:
.L_overlay_start_2:
0x60: {  	(tag) =	ssettag $0x2  }
0x61: {  	s0 =	rddreg [dreg:$0x0];
	s2 =	stileid.u32  }
0x62: {  	s1 =	rddreg [dreg:$0x1];
	p0 =	sne.s32 s2, $0x0  }
0x63: {  	s3 =	rddreg [dreg:$0x2];
	[bflag:$0x3] =	sbarrier.arrive $0xFFFF;
	s2 =	simm.s32 @!p0 $0x1C02  }
0x64: {  	[timem:s3], [sflag:s2] =	dma.local @!p0 [hbm:s0], s1  }
0x65: {  	s0 =	simm.s32 @!p0 $0x2  }
0x66: {  	_ =	swait.ge @!p0 [sflag:s0], s1  }
0x67: {  	s1 =	ssub.s32 @!p0 $0x0, s1;
	[sflag:s0] =	ssyncset.done @!p0 $0x0  }
0x68: {  	[sflag:s0] =	ssyncadd.s32 @!p0 s1  }
0x69: {  	[bflag:$0x3] =	sbarrier.arrive $0xFFFF  }
0x6a: {  	_ =	shalt  }

// kernel: sparse-core-data-format-call.cloned.1.call-start
scs
called_computation_lowered:
.L_overlay_start_0:
0x0: {  	s2 =	sld [smem:$0x3FD9]  }
0x1: {  	s3 =	sld [smem:$0x3FFE];
	_ =	sdelay $0x1  }
0x2: {  	s1 =	srdreg.scid  }
0x3: {  	s0 =	sand.u32 $0x1, s1  }
0x4: {  	s18 =	sshll.u32 s0, $0xA;
	s2 =	sadd.s32 s3, s2  }
0x5: {  	s2 =	sadd.s32 s2, s18  }
0x6: {  	[smem:$0x3FC6] =	sst s2  }
0x7: {  	_ = 	snop  }
0x8: {  	s2 =	sld [smem:$0x3FD0];
	(tm) =	ssettm $0x1  }
0x9: {  	s19 =	sld [smem:$0x3FFB];
	_ =	sdelay $0x3  }
0xa: {  	_ =	strace s19  }
0xb: {  	s3 =	sld [smem:$0x3FFC];
	_ =	sdelay $0x3  }
0xc: {  	_ =	strace s3  }
0xd: {  	s3 =	sld [smem:$0x3FFD];
	_ =	sdelay $0x3  }
0xe: {  	_ =	strace s3  }
0xf: {  	_ =	strace $0x8FFFFFFF  }
0x10: {  	s20 =	sld [smem:$0x3FDB];
	_ =	sdelay $0x1  }
0x11: {  	s4 =	simm.s32 $_scs_section_size  }
0x12: {  	s5 =	simm.s32 $_size__tile_overlayer_lowered;
	s6 =	simm.s32 $_tile_overlayer_lowered  }
0x13: {  	s23 =	simm.s32 $0x1BFF;
	s22 =	sshll.u32 s6, $0x1;
	s3 =	sadd.s32 s4, s20  }
0x14: {  	s7 =	simm.s32 $0x0;
	s21 =	sshll.u32 s5, $0x1;
	s5 =	sadd.s32 s22, s3  }
0x15: {  	[timem:s7], [sflag:s23] =	dma.local [hbm:s5], s21  }
0x16: {  	_ =	swait.ge [sflag:s23], s21  }
0x17: {  	s4 =	ssub.s32 $0x0, s21;
	[sflag:s23] =	ssyncset.done $0x0  }
0x18: {  	[sflag:s23] =	ssyncadd.s32 s4;
	_ =	sdelay $0x1  }
0x19: {  	s24 =	simm.s32 $0x1B8B  }
0x1a: {  	_ =	swait.ge [sflag:s24], $0x1  }
0x1b: {  	[sflag:s24] =	ssyncset.done $0x0  }
0x1c: {  	s26 =	simm.s32 $0x1B8E;
	s25 =	sld [smem:$0x3FFE];
	[sflag:s24] =	ssyncadd.s32 $0xFFFFFFFF  }
0x1d: {  	s27 =	simm.s32 $execute0_lowered;
	[smem:$0x3FD2] =	sst s26  }
0x1e: {  	s5 =	sshll.u32 s27, $0x1;
	_ =	strace $0x8000004C;
	[dreg:$0x1] =	wrdreg $0xFFFFFFFF  }
0x1f: {  	s28 =	simm.s32 $_size_execute0_lowered;
	s3 =	sadd.s32 s3, s5;
	[dreg:$0x0] =	wrdreg $0x0  }
0x20: {  	s5 =	sshll.u32 s28, $0x1;
	[dreg:$0x2] =	wrdreg s3  }
0x21: {  	[dreg:$0x3] =	wrdreg s5  }
0x22: {  	[dreg:$0x4] =	wrdreg $0xC0  }
0x23: {  	_ =	task [dreg:s7], $0x5FFFF  }
0x24: {  	[dreg:$0x1] =	wrdreg $0xFFFFFFFF  }
0x25: {  	[dreg:$0x0] =	wrdreg $0x60  }
0x26: {  	[dreg:$0x2] =	wrdreg s25  }
0x27: {  	[dreg:$0x3] =	wrdreg s2  }
0x28: {  	[dreg:$0x4] =	wrdreg $0x9  }
0x29: {  	_ =	task.clear_ibuf [dreg:s7], $0x5FFFF;
	_ =	strace $0x9000004C  }
0x2a: {  	s29 =	simm.s32 $0x9;
	_ =	strace $0x8000004E  }
0x2b: {  	_ =	swait.ge [sflag:s29], $0x1  }
0x2c: {  	[sflag:s29] =	ssyncadd.s32 $0xFFFFFFFF  }
0x2d: {  	_ =	strace $0x9000004E  }
0x2e: {  	_ =	sfence  }
0x2f: {  	s30 =	sld [smem:$0x0];
	_ =	sdelay $0x2  }
0x30: {  	s31 =	sshll.u32 s1, $0xD;
	s1 =	sshrl.u32 s1, $0x2  }
0x31: {  	s3 =	sand.u32 $0x4000, s31;
	s1 =	sadd.s32 s1, s30  }
0x32: {  	s0 =	sor.u32 s3, s0;
	s1 =	sshll.u32 s1, $0x11  }
0x33: {  	s0 =	sor.u32 s1, s0  }
0x34: {  	s0 =	sadd.s32 $0x8F2B, s0  }
0x35: {  	[sflag:s0] =	ssyncadd.remote.s32 $0x1  }
0x36: {  	_ =	sfence.sel $0xFFFF  }
0x37: {  	[dreg:$0x0] =	wrdreg $0xFFFFFFFF;
	(pc) =	sbr.abs _section_cstart, $3  }
0x38: {  	[dreg:$0x1] =	wrdreg $0xFFFFFFFF  }
0x39: {  	_ =	task.clear_ibuf [dreg:s7], $0x2FFFF;
	_ =	strace $0x9FFFFFFF  }
0x3a: {  	(tm) =	ssettm $0x7FFFFFFF  }
0x3b: {  	_ =	shalt  }
tec
execute0_lowered:
.L_overlay_start_1:
0x0: {  	(tag) =	ssettag $0x1  }
0x1: {  	s0 =	srdreg.scid  }
0x2: {  	s1 =	sshll.u32 s0, $0x4  }
0x3: {  	s5 =	rddreg [dreg:$0x0];
	s0 =	stileid.u32;
	s1 =	sand.u32 $0x10, s1  }
0x4: {  	s3 =	rddreg [dreg:$0x1];
	s31 =	simm.s32 $0x2;
	s4 =	sor.u32 s0, s1  }
0x5: {  	s13 =	simm.s32 $0x0;
	s9 =	simm.s32 $0x400;
	s2 =	sshll.u32 s4, $0x7  }
0x6: {  	s10 =	simm.s32 $0x8000;
	s14 =	simm.s32 $0x0;
	s6 =	ssub.s32 $0x1000, s2  }
0x7: {  	s1 =	rddreg [dreg:$0x2];
	_ =	strace $0x8000004D;
	s7 =	sand.u32 $0xF80, s6  }
0x8: {  	s4 =	sshll.u32 s4, $0xB;
	p0 =	sne.s32 s7, $0x0;
	s7 =	simm.s32 $0x1  }
.Ltmp0:
0x9: {  	s6 =	sshrl.u32 s6, $0xC;
	s7 =	simm.s32 @!p0 $0x0;
	(pc) =	sbr.rel .LBB1_1-.Ltmp0, $4  }
0xa: {  	s8 =	sadd.s32 s4, s5;
	s4 =	simm.s32 $0x1;
	s30 =	sadd.s32 s7, s6  }
0xb: {  	s11 =	simm.s32 $0x0;
	[sflag:s4] =	ssyncpa.u1 $0x0;
	s5 =	smul.u32 $0x19, s30  }
0xc: {  	s12 =	simm.s32 $0x0;
	[sflag:s31] =	ssyncpa.u1 $0x0;
	p0 =	por $0x0, $0x0  }
0xd: {  	s6 =	sadd.s32 $0xE00, s8;
	s7 =	sadd.s32 $0x10E00, s8;
	s8 =	sadd.s32 $0x1, s5  }
.LBB1_7:
0xe: {  	s15 =	sadd.s32 $0x2, s11  }
0xf: {  	p2 =	sgt.s32 s15, $0x31  }
0x10: {  	s15 =	simm.s32 @p2 $0x0;
	p2 =	sne.s32 s12, s8  }
.Ltmp1:
0x11: {  	p1 =	slt.u32 s12, $0x2;
	(pc) =	sbr.rel @!p2 .LBB1_8-.Ltmp1, $4  }
0x12: {  	s13 =	simm.s32 @!p1 $0x2  }
0x13: {  	s16 =	sadd.s32 $0x1, s12;
	s14 =	smov.u32 s11;
	_ =	swait.ge @!p1 [sflag:s13], $0x4000  }
0x14: {  	p0 =	por !p0, !p0;
	s12 =	smov.u32 s16;
	[sflag:s13] =	ssyncset.done @!p1 $0x0  }
0x15: {  	s11 =	smov.u32 s15;
	[sflag:s13] =	ssyncadd.s32 @!p1 $0xFFFFC000;
	s13 =	smov.u32 s2  }
.LBB1_1:
0x16: {  	p1 =	sge.u32 s12, s5  }
0x17: {  	s15 =	sxor.u32 @!p1 $0xFFFFFFFF, s12  }
0x18: {  	s16 =	sshll.u32 @!p1 s11, $0x10;
	s18 =	simm.s32 @!p1 $0x40;
	s15 =	sshll.u32 @!p1 s15, $0xE  }
0x19: {  	s19 =	simm.s32 @!p1 $0x80;
	s17 =	sadd.s32 @!p1 s16, s6;
	s15 =	sand.u32 @!p1 $0x4000, s15  }
0x1a: {  	[tilespmem:s15], [sflag:$0x1] =	stream.strided.gather @!p1 [hbm4b:s17+s18], $0x2000, s19, s18, $0x38;
	[tilespmem:$0x10100] =	vst v63  }
0x1b: {  	s31 =	sadd.s32 $0xFFFFFFFF, s12;
	s16 =	sadd.s32 @!p1 s16, s7;
	s15 =	sor.u32 @!p1 $0x2000, s15  }
0x1c: {  	[tilespmem:s15], [sflag:$0x1] =	stream.strided.gather @!p1 [hbm4b:s16+s18], $0x2000, s19, s18, $0x38;
	[tilespmem:$0x10100] =	vst v63  }
0x1d: {  	p1 =	sge.u32 s31, s5  }
.Ltmp2:
0x1e: {  	_ = 	snop;
	(pc) =	sbr.rel @p1 .LBB1_7-.Ltmp2, $1  }
0x1f: {  	_ =	sdelay $0x3  }
0x20: {  	s15 =	simm.s32 $0x1;
	s17 =	sand.u32 $0x1, s12  }
0x21: {  	_ =	swait.ge [sflag:s4], $0x4000;
	s15 =	simm.s32 @!p0 $0x0;
	s17 =	smul.u32 $0x10200, s17  }
0x22: {  	p2 =	por $0x1, $0x1;
	[sflag:s4] =	ssyncset.done $0x0;
	s16 =	smul.u32 $0x10200, s15  }
0x23: {  	s18 =	sshll.u32 s15, $0x10;
	[sflag:s4] =	ssyncadd.s32 $0xFFFFC000;
	s30 =	sshrl.u32 s17, $0x2  }
0x24: {  	s31 =	sshrl.u32 s18, $0x2;
	s18 =	simm.s32 $0x0;
	s16 =	sshrl.u32 s16, $0x2  }
0x25: {  	s15 =	sor.u32 $0x8000, s30;
	s17 =	sadd.s32 $0x20, s31;
	s16 =	sor.u32 $0x8000, s16  }
.LBB1_3:
0x26: {  	s19 =	sshll.u32 s18, $0xD  }
0x27: {  	s19 =	sand.u32 $0x3FFFE000, s19  }
0x28: {  	s21 =	sadd.s32 s19, s17  }
0x29: {  	s31 =	smul.u32 $0x8100, s18;
	v3 =	vld [tilespmem:s21+$0x10]  }
0x2a: {  	v1 =	vld [tilespmem:s21+$0xFFFFFFF0]  }
0x2b: {  	s18 =	sshra.s32 s31, $0x2;
	v0 =	vld [tilespmem:s21+$0x0]  }
0x2c: {  	s18 =	sadd.s32 s18, s16;
	v2 =	vld [tilespmem:s21+$0xFFFFFFE0]  }
0x2d: {  	s19 =	sadd.s32 $0x0, s18  }
0x2e: {  	p1 =	por p2, p2;
	s20 =	simm.s32 $0x4;
	s21 =	sadd.s32 $0x40, s21;
	[tilespmem:s19+$0x1830 ss:$0x81] =	vst.msk $0xffff, v3  }
.LBB1_4:
0x2f: {  	v3 =	vld [tilespmem:s21+$0x10];
	p2 =	sne.s32 s20, $0x1FC;
	[tilespmem:s19+$0x810 ss:$0x81] =	vst.msk $0xffff, v1;
	s22 =	smov.u32 s20;
	s20 =	sadd.s32 $0x4, s20  }
.Ltmp3:
0x30: {  	v1 =	vld [tilespmem:s21+$0xFFFFFFF0];
	[tilespmem:s19+$0x1020 ss:$0x81] =	vst.msk $0xffff, v0;
	(pc) =	sbr.rel @p2 .LBB1_4-.Ltmp3, $4  }
0x31: {  	v0 =	vld [tilespmem:s21+$0x0];
	[tilespmem:s19+$0x0 ss:$0x81] =	vst.msk $0xffff, v2  }
0x32: {  	s19 =	sshra.s32 s22, $0x2;
	v2 =	vld [tilespmem:s21+$0xFFFFFFE0]  }
0x33: {  	s19 =	sadd.s32 s19, s18  }
0x34: {  	s21 =	sadd.s32 $0x40, s21;
	[tilespmem:s19+$0x1830 ss:$0x81] =	vst.msk $0xffff, v3  }
.Ltmp4:
0x35: {  	(pc) =	sbr.rel @p1 .LBB1_3-.Ltmp4, $4  }
0x36: {  	_ = 	snop  }
0x37: {  	[tilespmem:s19+$0x810 ss:$0x81] =	vst.msk $0xffff, v1  }
0x38: {  	[tilespmem:s19+$0x1020 ss:$0x81] =	vst.msk $0xffff, v0  }
0x39: {  	s18 =	simm.s32 $0x1;
	p2 =	por $0x0, $0x0;
	[tilespmem:s19+$0x0 ss:$0x81] =	vst.msk $0xffff, v2  }
.Ltmp5:
0x3a: {  	(pc) =	sbr.rel .LBB1_7-.Ltmp5, $4  }
0x3b: {  	s14 =	sshll.u32 s14, $0xF  }
0x3c: {  	s14 =	sadd.s32 s3, s14  }
0x3d: {  	s13 =	sadd.s32 s13, s14  }
0x3e: {  	[hbm4b:s13+s9] =	stream.strided.scatter [tilespmem:s15], [sflag:$0x2], $0x4000, s10, s9, $0x20;
	[tilespmem:$0x10100] =	vst v63  }
.LBB1_8:
0x3f: {  	_ =	sfence.sel $0x180000  }
0x40: {  	s2 =	simm.s32 $0x1;
	[bflag:$0x0] =	sbarrier.arrive $0xFFFF  }
0x41: {  	s31 =	simm.s32 $0x2;
	[sflag:s2] =	ssyncpa.u1 $0x1  }
0x42: {  	[sflag:s31] =	ssyncpa.u1 $0x1  }
0x43: {  	p0 =	sne.s32 s0, $0x0;
	_ =	strace $0x9000004D  }
0x44: {  	s0 =	sadd.s32 @!p0 $0x100000, s1;
	[bflag:$0x2] =	sbarrier.arrive $0xFFFF  }
0x45: {  	[sflag:s0] =	ssyncadd.tile.s32 @!p0 $0x1;
	_ =	shalt  }
.Lfunc_end1:
_tile_overlayer_lowered:
.L_overlay_start_2:
0x46: {  	(tag) =	ssettag $0x2  }
0x47: {  	s0 =	rddreg [dreg:$0x0];
	s2 =	stileid.u32  }
0x48: {  	s1 =	rddreg [dreg:$0x1];
	p0 =	sne.s32 s2, $0x0  }
0x49: {  	s3 =	rddreg [dreg:$0x2];
	[bflag:$0x3] =	sbarrier.arrive $0xFFFF;
	s2 =	simm.s32 @!p0 $0x1C01  }
0x4a: {  	[timem:s3], [sflag:s2] =	dma.local @!p0 [hbm:s0], s1  }
0x4b: {  	s0 =	simm.s32 @!p0 $0x1  }
0x4c: {  	_ =	swait.ge @!p0 [sflag:s0], s1  }
0x4d: {  	s1 =	ssub.s32 @!p0 $0x0, s1;
	[sflag:s0] =	ssyncset.done @!p0 $0x0  }
0x4e: {  	[sflag:s0] =	ssyncadd.s32 @!p0 s1  }
0x4f: {  	[bflag:$0x3] =	sbarrier.arrive $0xFFFF  }
0x50: {  	_ =	shalt  }

</sc_bundles>
